<compile_context>
chip_gen: v7x
topology: tpu7x:2x2x1
jax: 0.10.2.dev20260603
libtpu: 0.0.44.dev20260713+nightly
codegen_flags: <defaults>
</compile_context>

<pallas_src>
import functools

import jax
import jax.numpy as jnp
from jax.experimental import pallas as pl
from jax.experimental.pallas import tpu as pltpu
from jax.experimental.pallas import tpu_sc as plsc

_N, _A, _C = 64, 8732, 81
_AP = 8736
_LANES = 16
_NCHUNK = _AP // _LANES


def _ssd_row_kernel(cls_ref, w_ref, tgtl_ref, lp_ref, lt_ref,
                    cls_out, loc_out, npos_out, neg_out, nposr_out,
                    se_acc, xt_acc, wt_acc):
    n = pl.program_id(0)
    C, A = _C, cls_ref.shape[2]
    R = cls_ref.shape[1]

    x3 = cls_ref[...]
    tgt = tgtl_ref[0]
    w3 = w_ref[...]
    CB = x3.shape[0]
    c = pl.program_id(1)
    nc = pl.num_programs(1)

    tgtc = jnp.clip(tgt, 0, C - 1)[None, :, :]
    oh = (jax.lax.broadcasted_iota(jnp.int32, (CB, R, A), 0)
          + c * CB) == tgtc
    p_se = jnp.sum(jnp.exp(x3), axis=0)
    p_xt = jnp.sum(jnp.where(oh, x3, 0.0), axis=0)
    p_wt = jnp.sum(jnp.where(oh, w3, 0.0), axis=0)

    @pl.when(c == 0)
    def _first():
        se_acc[...] = p_se
        xt_acc[...] = p_xt
        wt_acc[...] = p_wt

    @pl.when(c > 0)
    def _accum():
        se_acc[...] += p_se
        xt_acc[...] += p_xt
        wt_acc[...] += p_wt

    @pl.when(c == nc - 1)
    def _final():
        lse = jnp.log(se_acc[...])
        cls_loss = jnp.where(tgt < 0, 0.0,
                             (lse - xt_acc[...]) * wt_acc[...])

        pos = tgt > 0
        posf = pos.astype(jnp.float32)
        npos_row = jnp.sum(posf, axis=1)
        step_npos = jnp.sum(npos_row)
        step_cls = jnp.sum(cls_loss * posf)

        neg_out[:, 0, pl.ds(0, A)] = jnp.where(pos, -1.0, cls_loss)
        neg_out[:, 0, pl.ds(A, _AP - A)] = jnp.full((R, _AP - A), -1.0,
                                                    jnp.float32)
        nposr_out[:, 0, :] = jnp.broadcast_to(npos_row[:, None],
                                              (R, _LANES))

        d = lp_ref[...] - lt_ref[...]
        ad = jnp.abs(d)
        sl1 = jnp.where(ad < 1.0, 0.5 * ad * ad, ad - 0.5)
        loc_row = jnp.sum(jnp.where(pos[:, None, :], sl1, 0.0),
                          axis=(1, 2))
        lane0 = jax.lax.broadcasted_iota(jnp.int32, (R, A), 1) == 0
        tgt0_row = jnp.sum(jnp.where(lane0, tgt, 0), axis=1)
        step_loc = jnp.sum(jnp.where(tgt0_row != 0, loc_row, 0.0))

        @pl.when(n == 0)
        def _init():
            cls_out[...] = jnp.zeros_like(cls_out)
            loc_out[...] = jnp.zeros_like(loc_out)
            npos_out[...] = jnp.zeros_like(npos_out)

        cls_out[...] += step_cls
        loc_out[...] += step_loc
        npos_out[...] += step_npos


def _tc_stage(lp_t, lt_t, cls_t, w_sub, tgt_lane):
    N = _N
    out_shapes = (
        jax.ShapeDtypeStruct((1, 1), jnp.float32),
        jax.ShapeDtypeStruct((1, 1), jnp.float32),
        jax.ShapeDtypeStruct((1, 1), jnp.float32),
        jax.ShapeDtypeStruct((N, 1, _AP), jnp.float32),
        jax.ShapeDtypeStruct((N, 1, _LANES), jnp.float32),
    )
    R = 8
    CB = 27
    return pl.pallas_call(
        _ssd_row_kernel,
        grid=(N // R, _C // CB),
        in_specs=[
            pl.BlockSpec((CB, R, _A), lambda n, c: (c, n, 0)),
            pl.BlockSpec((CB, 1, 1), lambda n, c: (c, 0, 0)),
            pl.BlockSpec((1, R, _A), lambda n, c: (n, 0, 0)),
            pl.BlockSpec((R, 4, _A), lambda n, c: (n, 0, 0)),
            pl.BlockSpec((R, 4, _A), lambda n, c: (n, 0, 0)),
        ],
        out_specs=(
            pl.BlockSpec((1, 1), lambda n, c: (0, 0)),
            pl.BlockSpec((1, 1), lambda n, c: (0, 0)),
            pl.BlockSpec((1, 1), lambda n, c: (0, 0)),
            pl.BlockSpec((R, 1, _AP), lambda n, c: (n, 0, 0)),
            pl.BlockSpec((R, 1, _LANES), lambda n, c: (n, 0, 0)),
        ),
        out_shape=out_shapes,
        scratch_shapes=[
            pltpu.VMEM((R, _A), jnp.float32),
            pltpu.VMEM((R, _A), jnp.float32),
            pltpu.VMEM((R, _A), jnp.float32),
        ],
    )(cls_t, w_sub, tgt_lane, lp_t, lt_t)


def _mine_body(neg_hbm, npos_hbm, out_hbm, row_v, np_v, res_v):
    core = jax.lax.axis_index("c")
    sub = jax.lax.axis_index("s")
    wid = sub * 2 + core

    def _lane_sum(vec):
        s = vec[0]
        for q in range(1, _LANES):
            s = s + vec[q]
        return s

    def do_row(i, carry):
        r = wid * 2 + i
        pltpu.sync_copy(neg_hbm.at[r], row_v)
        pltpu.sync_copy(npos_hbm.at[r], np_v)
        npos = np_v[...][0].astype(jnp.int32)
        k = 3 * npos
        m_neg = _A - npos

        kf = k.astype(jnp.float32)

        def search_body(_, lohi):
            lo, hi = lohi
            mid = lo + (hi - lo + 1) // 2

            def cnt_chunk(j, acc):
                v = row_v[pl.ds(j * _LANES, _LANES)]
                bits = jax.lax.bitcast_convert_type(v, jnp.int32)
                return acc + jnp.where(bits >= mid, 1.0, 0.0)

            cntv = jax.lax.fori_loop(
                0, _NCHUNK, cnt_chunk, jnp.zeros((_LANES,), jnp.float32))
            ge = _lane_sum(cntv) >= kf
            return jnp.where(ge, mid, lo), jnp.where(ge, hi, mid - 1)

        n_bisect = jnp.where(k < m_neg, 31, 0)
        lo, _ = jax.lax.fori_loop(
            0, n_bisect, search_body,
            (jnp.int32(0), jnp.int32(0x7F7FFFFF)))

        def final_chunk(j, acc):
            v = row_v[pl.ds(j * _LANES, _LANES)]
            bits = jax.lax.bitcast_convert_type(v, jnp.int32)
            gt = bits > lo
            return (acc[0] + jnp.where(gt, v, 0.0),
                    acc[1] + jnp.where(gt, 1.0, 0.0))

        ssum, cgtv = jax.lax.fori_loop(
            0, _NCHUNK, final_chunk,
            (jnp.zeros((_LANES,), jnp.float32),
             jnp.zeros((_LANES,), jnp.float32)))
        cgt = _lane_sum(cgtv)
        thr = jax.lax.bitcast_convert_type(lo, jnp.float32)
        extra = jnp.where(kf > cgt, (kf - cgt) * thr, 0.0)
        lane0 = jax.lax.iota(jnp.int32, _LANES) == 0
        res_v[...] = ssum + jnp.where(lane0, extra, 0.0)

        pltpu.sync_copy(res_v, out_hbm.at[r])
        return carry

    jax.lax.fori_loop(0, 2, do_row, jnp.int32(0))


_mine = functools.partial(
    pl.kernel,
    _mine_body,
    out_type=jax.ShapeDtypeStruct((_N, _LANES), jnp.float32),
    mesh=plsc.VectorSubcoreMesh(core_axis_name="c", subcore_axis_name="s"),
    scratch_types=[
        pltpu.VMEM((_AP,), jnp.float32),
        pltpu.VMEM((_LANES,), jnp.float32),
        pltpu.VMEM((_LANES,), jnp.float32),
    ],
)()


def kernel(loc_preds, loc_targets, cls_preds, cls_targets, classes_weights):
    N, A, C = cls_preds.shape
    tgt32 = cls_targets.astype(jnp.int32)
    tgt_lane = tgt32.reshape(N // 8, 8, A)
    cls_t = jnp.transpose(cls_preds, (2, 0, 1))
    lp_t = jnp.transpose(loc_preds, (0, 2, 1))
    lt_t = jnp.transpose(loc_targets, (0, 2, 1))
    w_sub = classes_weights.reshape(C, 1, 1)

    cls_pos, loc_tot, npos_tot, neg_vals, npos_rows = _tc_stage(
        lp_t, lt_t, cls_t, w_sub, tgt_lane)

    neg_sums = _mine(neg_vals.reshape(N, _AP), npos_rows.reshape(N, _LANES))

    npos = npos_tot[0, 0]
    denom = jnp.where(npos > 0, npos, 1.0)
    total = cls_pos[0, 0] + loc_tot[0, 0] + jnp.sum(neg_sums)
    return total / denom

# --- scband reference (transcript-rebuilt; emitter-appended) ---
"""Pipeline reference for scband-ssdloss-neg-weights-17428977287814 (READ-ONLY COPY).

The authoritative reference and input builder live on the scoring server;
editing this copy changes nothing except your own understanding.
"""

import jax, jax.numpy as jnp
import numpy as np

NUM_CLASSES = 81
NEG_IND = 0


def setup_inputs(seed: int = 0):
    key = jax.random.key(seed)
    k1, k2, k3, k4 = jax.random.split(key, 4)
    N, A = 64, 8732
    loc_preds = jax.random.normal(k1, (N, A, 4), dtype=jnp.float32)
    loc_targets = jax.random.normal(k2, (N, A, 4), dtype=jnp.float32)
    cls_preds = jax.random.normal(k3, (N, A, NUM_CLASSES), dtype=jnp.float32)
    cls_targets = jax.random.randint(k4, (N, A), 0, NUM_CLASSES).astype(jnp.int64)
    w = np.ones((NUM_CLASSES,), dtype=np.float32)
    w[NEG_IND] = w[NEG_IND] / 2.6
    classes_weights = jnp.asarray(w)
    return {"loc_preds": loc_preds, "loc_targets": loc_targets,
            "cls_preds": cls_preds, "cls_targets": cls_targets,
            "classes_weights": classes_weights}


def _smooth_l1(x):
    ax = jnp.abs(x)
    return jnp.where(ax < 1.0, 0.5 * ax * ax, ax - 0.5)


def reference(loc_preds, loc_targets, cls_preds, cls_targets, classes_weights):
    N, A, C = cls_preds.shape
    pos = cls_targets > 0
    # torch loop: loc_preds[i] = loc_targets[i] where cls_targets[i][0] == neg_ind
    cond = cls_targets[:, 0] == NEG_IND
    loc_preds = jnp.where(cond[:, None, None], loc_targets, loc_preds)
    num_pos = pos.sum()
    # SmoothL1 over positive-masked locations, size_average=False (sum)
    diff = loc_preds - loc_targets
    loc_loss = jnp.sum(_smooth_l1(diff) * pos[:, :, None].astype(jnp.float32))
    # weighted, unreduced cross entropy per anchor
    logp = jax.nn.log_softmax(cls_preds, axis=-1)
    tgt = jnp.clip(cls_targets, 0, C - 1)
    nll = -jnp.take_along_axis(logp, tgt[..., None], axis=-1)[..., 0]
    cls_loss = nll * classes_weights[tgt]
    cls_loss = jnp.where(cls_targets < 0, 0.0, cls_loss)
    # hard negative mining
    neg_key = cls_loss * (pos.astype(jnp.float32) - 1.0)
    idx = jnp.argsort(neg_key, axis=1)
    rank = jnp.argsort(idx, axis=1)
    num_neg = 3 * pos.sum(axis=1)
    neg = rank < num_neg[:, None]
    cls_loss_sum = jnp.sum(jnp.where(pos | neg, cls_loss, 0.0))
    denom = jnp.where(num_pos > 0, num_pos.astype(jnp.float32), 1.0)
    return (loc_loss + cls_loss_sum) / denom

if __name__ == "__main__":
    import jax
    _d = setup_inputs()
    print(jax.jit(kernel)(*tuple(_d.values())))

</pallas_src>

<mosaic_0001>
#map = affine_map<(d0, d1) -> (0, 0)>
module attributes {stable_mosaic.version = 14 : i64} {
  func.func @_mine_body(%arg0: i32, %arg1: i32, %arg2: memref<64x8736xf32, #tpu.memory_space<hbm>>, %arg3: memref<64x16xf32, #tpu.memory_space<hbm>>, %arg4: memref<64x16xf32, #tpu.memory_space<hbm>>, %arg5: memref<8736xf32, #tpu.memory_space<vmem>>, %arg6: memref<16xf32, #tpu.memory_space<vmem>>, %arg7: memref<16xf32, #tpu.memory_space<vmem>>) attributes {dimension_semantics = [#tpu.dimension_semantics<core_parallel>, #tpu.dimension_semantics<subcore_parallel>], iteration_bounds = array<i64: 2, 16>, scalar_prefetch = 0 : i64, scratch_operands = 3 : i64, tpu.core_type = #tpu.core_type<sc_vector_subcore>, window_params = [{transform_indices = #map}, {transform_indices = #map}, {transform_indices = #map}]} {
    %mul3A = arith.constant 2 : i32
    %mul3A_0 = arith.muli %arg1, %mul3A : i32
    %add3A = arith.addi %mul3A_0, %arg0 : i32
    %scan3A = arith.constant 0 : i32
    %scan3A_1 = arith.constant 0 : i32
    %scan3A_2 = arith.constant 2 : i32
    %scan3A_3 = arith.addi %scan3A_1, %scan3A_2 : i32
    %scan3A_4 = arith.constant 1 : i32
    scf.for %scan3A_6 = %scan3A_1 to %scan3A_3 step %scan3A_4  : i32 {
      %mul3A_7 = arith.constant 2 : i32
      %mul3A_8 = arith.muli %add3A, %mul3A_7 : i32
      %add3A_9 = arith.addi %mul3A_8, %scan3A_6 : i32
      "tpu.region"() ({
        %run_scoped3A = tpu.sem_alloc : memref<!tpu.dma_semaphore, #tpu.memory_space<semaphore_mem>>
        %dma_start3A = arith.constant 0 : i32
        %dma_start3A_99 = tpu.memref_slice %arg2[%add3A_9, %dma_start3A] : memref<64x8736xf32, #tpu.memory_space<hbm>> -> memref<1x8736xf32, #tpu.memory_space<hbm>>
        %dma_start3A_100 = tpu.memref_squeeze %dma_start3A_99 : memref<1x8736xf32, #tpu.memory_space<hbm>> -> memref<8736xf32, #tpu.memory_space<hbm>>
        %dma_start3A_101 = arith.constant 0 : i32
        %dma_start3A_102 = tpu.memref_slice %arg2[%add3A_9, %dma_start3A_101] : memref<64x8736xf32, #tpu.memory_space<hbm>> -> memref<1x8736xf32, #tpu.memory_space<hbm>>
        %dma_start3A_103 = tpu.memref_squeeze %dma_start3A_102 : memref<1x8736xf32, #tpu.memory_space<hbm>> -> memref<8736xf32, #tpu.memory_space<hbm>>
        tpu.enqueue_dma source(%dma_start3A_103 : memref<8736xf32, #tpu.memory_space<hbm>>) target(%arg5 : memref<8736xf32, #tpu.memory_space<vmem>>) target_semaphore(%run_scoped3A : memref<!tpu.dma_semaphore, #tpu.memory_space<semaphore_mem>>)
        %dma_wait3A = arith.constant 0 : i32
        %dma_wait3A_104 = tpu.memref_slice %arg2[%add3A_9, %dma_wait3A] : memref<64x8736xf32, #tpu.memory_space<hbm>> -> memref<1x8736xf32, #tpu.memory_space<hbm>>
        %dma_wait3A_105 = tpu.memref_squeeze %dma_wait3A_104 : memref<1x8736xf32, #tpu.memory_space<hbm>> -> memref<8736xf32, #tpu.memory_space<hbm>>
        %dma_wait3A_106 = arith.constant 0 : i32
        %dma_wait3A_107 = tpu.memref_slice %arg2[%add3A_9, %dma_wait3A_106] : memref<64x8736xf32, #tpu.memory_space<hbm>> -> memref<1x8736xf32, #tpu.memory_space<hbm>>
        %dma_wait3A_108 = tpu.memref_squeeze %dma_wait3A_107 : memref<1x8736xf32, #tpu.memory_space<hbm>> -> memref<8736xf32, #tpu.memory_space<hbm>>
        tpu.wait_dma2 semaphore(%run_scoped3A : memref<!tpu.dma_semaphore, #tpu.memory_space<semaphore_mem>>) src(%dma_wait3A_108 : memref<8736xf32, #tpu.memory_space<hbm>>) dst(%arg5 : memref<8736xf32, #tpu.memory_space<vmem>>)
        tpu.yield
      }) : () -> ()
      "tpu.region"() ({
        %run_scoped3A = tpu.sem_alloc : memref<!tpu.dma_semaphore, #tpu.memory_space<semaphore_mem>>
        %dma_start3A = arith.constant 0 : i32
        %dma_start3A_99 = tpu.memref_slice %arg3[%add3A_9, %dma_start3A] : memref<64x16xf32, #tpu.memory_space<hbm>> -> memref<1x16xf32, #tpu.memory_space<hbm>>
        %dma_start3A_100 = tpu.memref_squeeze %dma_start3A_99 : memref<1x16xf32, #tpu.memory_space<hbm>> -> memref<16xf32, #tpu.memory_space<hbm>>
        %dma_start3A_101 = arith.constant 0 : i32
        %dma_start3A_102 = tpu.memref_slice %arg3[%add3A_9, %dma_start3A_101] : memref<64x16xf32, #tpu.memory_space<hbm>> -> memref<1x16xf32, #tpu.memory_space<hbm>>
        %dma_start3A_103 = tpu.memref_squeeze %dma_start3A_102 : memref<1x16xf32, #tpu.memory_space<hbm>> -> memref<16xf32, #tpu.memory_space<hbm>>
        tpu.enqueue_dma source(%dma_start3A_103 : memref<16xf32, #tpu.memory_space<hbm>>) target(%arg6 : memref<16xf32, #tpu.memory_space<vmem>>) target_semaphore(%run_scoped3A : memref<!tpu.dma_semaphore, #tpu.memory_space<semaphore_mem>>)
        %dma_wait3A = arith.constant 0 : i32
        %dma_wait3A_104 = tpu.memref_slice %arg3[%add3A_9, %dma_wait3A] : memref<64x16xf32, #tpu.memory_space<hbm>> -> memref<1x16xf32, #tpu.memory_space<hbm>>
        %dma_wait3A_105 = tpu.memref_squeeze %dma_wait3A_104 : memref<1x16xf32, #tpu.memory_space<hbm>> -> memref<16xf32, #tpu.memory_space<hbm>>
        %dma_wait3A_106 = arith.constant 0 : i32
        %dma_wait3A_107 = tpu.memref_slice %arg3[%add3A_9, %dma_wait3A_106] : memref<64x16xf32, #tpu.memory_space<hbm>> -> memref<1x16xf32, #tpu.memory_space<hbm>>
        %dma_wait3A_108 = tpu.memref_squeeze %dma_wait3A_107 : memref<1x16xf32, #tpu.memory_space<hbm>> -> memref<16xf32, #tpu.memory_space<hbm>>
        tpu.wait_dma2 semaphore(%run_scoped3A : memref<!tpu.dma_semaphore, #tpu.memory_space<semaphore_mem>>) src(%dma_wait3A_108 : memref<16xf32, #tpu.memory_space<hbm>>) dst(%arg6 : memref<16xf32, #tpu.memory_space<vmem>>)
        tpu.yield
      }) : () -> ()
      %get3A = arith.constant 0 : index
      %get3A_10 = tpu.vector_load %arg6[%get3A] {strides = array<i32>} : memref<16xf32, #tpu.memory_space<vmem>>, vector<16xf32>,
      %get3A_11 = vector.shape_cast %get3A_10 : vector<16xf32> to vector<16xf32>
      %slice3A = vector.extract_strided_slice %get3A_11 {offsets = [0], sizes = [1], strides = [1]} : vector<16xf32> to vector<1xf32>
      %squeeze3A = vector.extract %slice3A[0] : f32 from vector<1xf32>
      %convert_element_type3A = arith.fptosi %squeeze3A : f32 to i32
      %mul3A_12 = arith.constant 3 : i32
      %mul3A_13 = arith.muli %mul3A_12, %convert_element_type3A : i32
      %sub3A = arith.constant 8732 : i32
      %sub3A_14 = arith.subi %sub3A, %convert_element_type3A : i32
      %convert_element_type3A_15 = arith.sitofp %mul3A_13 : i32 to f32
      %lt3A = arith.cmpi slt, %mul3A_13, %sub3A_14 : i32
      %jit3A = arith.constant 31 : i32
      %jit3A_16 = arith.constant 0 : i32
      %select_n3A = arith.select %lt3A, %jit3A, %jit3A_16 : i32
      %while3A = arith.constant 0 : i32
      %while3A_17 = arith.constant 0 : i32
      %while3A_18 = arith.constant 2139095039 : i32
      %while3A_19 = arith.subi %select_n3A, %while3A : i32
      %while3A_20 = arith.addi %while3A, %while3A_19 : i32
      %while3A_21 = arith.constant 1 : i32
      %while3A_22 = arith.divsi %while3A_19, %while3A_21 : i32
      %while3A_23 = arith.muli %while3A_22, %while3A_21 : i32
      %while3A_24 = arith.addi %while3A, %while3A_23 : i32
      %while3A_25 = arith.constant 1 : i32
      %while3A_26:2 = scf.for %while3A_99 = %while3A to %while3A_24 step %while3A_25 iter_args(%while3A_100 = %while3A_17, %while3A_101 = %while3A_18) -> (i32, i32)  : i32 {
        %sub3A_102 = arith.subi %while3A_101, %while3A_100 : i32
        %add3A_103 = arith.constant 1 : i32
        %add3A_104 = arith.addi %sub3A_102, %add3A_103 : i32
        %jit3A_105 = arith.constant 2 : i32
        %div3A = arith.divsi %add3A_104, %jit3A_105 : i32
        %sign3A = arith.constant 0 : i32
        %sign3A_106 = arith.cmpi sgt, %add3A_104, %sign3A : i32
        %sign3A_107 = arith.extui %sign3A_106 : i1 to i32
        %sign3A_108 = arith.constant 0 : i32
        %sign3A_109 = arith.cmpi slt, %add3A_104, %sign3A_108 : i32
        %sign3A_110 = arith.extui %sign3A_109 : i1 to i32
        %sign3A_111 = arith.subi %sign3A_107, %sign3A_110 : i32
        %sign3A_112 = arith.constant 0 : i32
        %sign3A_113 = arith.cmpi sgt, %jit3A_105, %sign3A_112 : i32
        %sign3A_114 = arith.extui %sign3A_113 : i1 to i32
        %sign3A_115 = arith.constant 0 : i32
        %sign3A_116 = arith.cmpi slt, %jit3A_105, %sign3A_115 : i32
        %sign3A_117 = arith.extui %sign3A_116 : i1 to i32
        %sign3A_118 = arith.subi %sign3A_114, %sign3A_117 : i32
        %ne3A = arith.cmpi ne, %sign3A_111, %sign3A_118 : i32
        %rem3A = arith.remsi %add3A_104, %jit3A_105 : i32
        %ne3A_119 = arith.constant 0 : i32
        %ne3A_120 = arith.cmpi ne, %rem3A, %ne3A_119 : i32
        %and3A = arith.andi %ne3A, %ne3A_120 : i1
        %sub3A_121 = arith.constant 1 : i32
        %sub3A_122 = arith.subi %div3A, %sub3A_121 : i32
        %select_n3A_123 = arith.select %and3A, %sub3A_122, %div3A : i32
        %add3A_124 = arith.addi %while3A_100, %select_n3A_123 : i32
        %broadcast_in_dim3A_125 = arith.constant 0.000000e+00 : f32
        %broadcast_in_dim3A_126 = vector.broadcast %broadcast_in_dim3A_125 : f32 to vector<16xf32>
        %scan3A_127 = arith.constant 0 : i32
        %scan3A_128 = arith.constant 546 : i32
        %scan3A_129 = arith.addi %scan3A_127, %scan3A_128 : i32
        %scan3A_130 = arith.constant 1 : i32
        %scan3A_131 = scf.for %scan3A_184 = %scan3A_127 to %scan3A_129 step %scan3A_130 iter_args(%scan3A_185 = %broadcast_in_dim3A_126) -> (vector<16xf32>)  : i32 {
          %mul3A_186 = arith.constant 16 : i32
          %mul3A_187 = arith.muli %scan3A_184, %mul3A_186 : i32
          %get3A_188 = arith.index_cast %mul3A_187 : i32 to index
          %get3A_189 = tpu.vector_load %arg5[%get3A_188] {strides = array<i32>} : memref<8736xf32, #tpu.memory_space<vmem>>, vector<16xf32>,
          %get3A_190 = vector.shape_cast %get3A_189 : vector<16xf32> to vector<16xf32>
          %bitcast_convert_type3A_191 = tpu.bitcast %get3A_190 : vector<16xf32> -> vector<16xi32>
          %ge3A_192 = vector.broadcast %add3A_124 : i32 to vector<16xi32>
          %ge3A_193 = arith.cmpi sge, %bitcast_convert_type3A_191, %ge3A_192 : vector<16xi32>
          %jit3A_194 = arith.constant 1.000000e+00 : f32
          %jit3A_195 = arith.constant 0.000000e+00 : f32
          %broadcast_in_dim3A_196 = vector.broadcast %jit3A_194 : f32 to vector<16xf32>
          %broadcast_in_dim3A_197 = vector.broadcast %jit3A_195 : f32 to vector<16xf32>
          %select_n3A_198 = arith.select %ge3A_193, %broadcast_in_dim3A_196, %broadcast_in_dim3A_197 : vector<16xi1>, vector<16xf32>
          %add3A_199 = arith.addf %scan3A_185, %select_n3A_198 : vector<16xf32>
          scf.yield %add3A_199 : vector<16xf32>
        }
        %scan3A_132 = arith.constant 546 : i32
        %slice3A_133 = vector.extract_strided_slice %scan3A_131 {offsets = [0], sizes = [1], strides = [1]} : vector<16xf32> to vector<1xf32>
        %squeeze3A_134 = vector.extract %slice3A_133[0] : f32 from vector<1xf32>
        %slice3A_135 = vector.extract_strided_slice %scan3A_131 {offsets = [1], sizes = [1], strides = [1]} : vector<16xf32> to vector<1xf32>
        %squeeze3A_136 = vector.extract %slice3A_135[0] : f32 from vector<1xf32>
        %add3A_137 = arith.addf %squeeze3A_134, %squeeze3A_136 : f32
        %slice3A_138 = vector.extract_strided_slice %scan3A_131 {offsets = [2], sizes = [1], strides = [1]} : vector<16xf32> to vector<1xf32>
        %squeeze3A_139 = vector.extract %slice3A_138[0] : f32 from vector<1xf32>
        %add3A_140 = arith.addf %add3A_137, %squeeze3A_139 : f32
        %slice3A_141 = vector.extract_strided_slice %scan3A_131 {offsets = [3], sizes = [1], strides = [1]} : vector<16xf32> to vector<1xf32>
        %squeeze3A_142 = vector.extract %slice3A_141[0] : f32 from vector<1xf32>
        %add3A_143 = arith.addf %add3A_140, %squeeze3A_142 : f32
        %slice3A_144 = vector.extract_strided_slice %scan3A_131 {offsets = [4], sizes = [1], strides = [1]} : vector<16xf32> to vector<1xf32>
        %squeeze3A_145 = vector.extract %slice3A_144[0] : f32 from vector<1xf32>
        %add3A_146 = arith.addf %add3A_143, %squeeze3A_145 : f32
        %slice3A_147 = vector.extract_strided_slice %scan3A_131 {offsets = [5], sizes = [1], strides = [1]} : vector<16xf32> to vector<1xf32>
        %squeeze3A_148 = vector.extract %slice3A_147[0] : f32 from vector<1xf32>
        %add3A_149 = arith.addf %add3A_146, %squeeze3A_148 : f32
        %slice3A_150 = vector.extract_strided_slice %scan3A_131 {offsets = [6], sizes = [1], strides = [1]} : vector<16xf32> to vector<1xf32>
        %squeeze3A_151 = vector.extract %slice3A_150[0] : f32 from vector<1xf32>
        %add3A_152 = arith.addf %add3A_149, %squeeze3A_151 : f32
        %slice3A_153 = vector.extract_strided_slice %scan3A_131 {offsets = [7], sizes = [1], strides = [1]} : vector<16xf32> to vector<1xf32>
        %squeeze3A_154 = vector.extract %slice3A_153[0] : f32 from vector<1xf32>
        %add3A_155 = arith.addf %add3A_152, %squeeze3A_154 : f32
        %slice3A_156 = vector.extract_strided_slice %scan3A_131 {offsets = [8], sizes = [1], strides = [1]} : vector<16xf32> to vector<1xf32>
        %squeeze3A_157 = vector.extract %slice3A_156[0] : f32 from vector<1xf32>
        %add3A_158 = arith.addf %add3A_155, %squeeze3A_157 : f32
        %slice3A_159 = vector.extract_strided_slice %scan3A_131 {offsets = [9], sizes = [1], strides = [1]} : vector<16xf32> to vector<1xf32>
        %squeeze3A_160 = vector.extract %slice3A_159[0] : f32 from vector<1xf32>
        %add3A_161 = arith.addf %add3A_158, %squeeze3A_160 : f32
        %slice3A_162 = vector.extract_strided_slice %scan3A_131 {offsets = [10], sizes = [1], strides = [1]} : vector<16xf32> to vector<1xf32>
        %squeeze3A_163 = vector.extract %slice3A_162[0] : f32 from vector<1xf32>
        %add3A_164 = arith.addf %add3A_161, %squeeze3A_163 : f32
        %slice3A_165 = vector.extract_strided_slice %scan3A_131 {offsets = [11], sizes = [1], strides = [1]} : vector<16xf32> to vector<1xf32>
        %squeeze3A_166 = vector.extract %slice3A_165[0] : f32 from vector<1xf32>
        %add3A_167 = arith.addf %add3A_164, %squeeze3A_166 : f32
        %slice3A_168 = vector.extract_strided_slice %scan3A_131 {offsets = [12], sizes = [1], strides = [1]} : vector<16xf32> to vector<1xf32>
        %squeeze3A_169 = vector.extract %slice3A_168[0] : f32 from vector<1xf32>
        %add3A_170 = arith.addf %add3A_167, %squeeze3A_169 : f32
        %slice3A_171 = vector.extract_strided_slice %scan3A_131 {offsets = [13], sizes = [1], strides = [1]} : vector<16xf32> to vector<1xf32>
        %squeeze3A_172 = vector.extract %slice3A_171[0] : f32 from vector<1xf32>
        %add3A_173 = arith.addf %add3A_170, %squeeze3A_172 : f32
        %slice3A_174 = vector.extract_strided_slice %scan3A_131 {offsets = [14], sizes = [1], strides = [1]} : vector<16xf32> to vector<1xf32>
        %squeeze3A_175 = vector.extract %slice3A_174[0] : f32 from vector<1xf32>
        %add3A_176 = arith.addf %add3A_173, %squeeze3A_175 : f32
        %slice3A_177 = vector.extract_strided_slice %scan3A_131 {offsets = [15], sizes = [1], strides = [1]} : vector<16xf32> to vector<1xf32>
        %squeeze3A_178 = vector.extract %slice3A_177[0] : f32 from vector<1xf32>
        %add3A_179 = arith.addf %add3A_176, %squeeze3A_178 : f32
        %ge3A = arith.cmpf oge, %add3A_179, %convert_element_type3A_15 : f32
        %select_n3A_180 = arith.select %ge3A, %add3A_124, %while3A_100 : i32
        %sub3A_181 = arith.constant 1 : i32
        %sub3A_182 = arith.subi %add3A_124, %sub3A_181 : i32
        %select_n3A_183 = arith.select %ge3A, %while3A_101, %sub3A_182 : i32
        scf.yield %select_n3A_180, %select_n3A_183 : i32, i32
      }
      %while3A_27 = arith.constant 1 : i32
      %while3A_28:2 = scf.for %while3A_99 = %while3A_24 to %while3A_20 step %while3A_27 iter_args(%while3A_100 = %while3A_26#0, %while3A_101 = %while3A_26#1) -> (i32, i32)  : i32 {
        %sub3A_102 = arith.subi %while3A_101, %while3A_100 : i32
        %add3A_103 = arith.constant 1 : i32
        %add3A_104 = arith.addi %sub3A_102, %add3A_103 : i32
        %jit3A_105 = arith.constant 2 : i32
        %div3A = arith.divsi %add3A_104, %jit3A_105 : i32
        %sign3A = arith.constant 0 : i32
        %sign3A_106 = arith.cmpi sgt, %add3A_104, %sign3A : i32
        %sign3A_107 = arith.extui %sign3A_106 : i1 to i32
        %sign3A_108 = arith.constant 0 : i32
        %sign3A_109 = arith.cmpi slt, %add3A_104, %sign3A_108 : i32
        %sign3A_110 = arith.extui %sign3A_109 : i1 to i32
        %sign3A_111 = arith.subi %sign3A_107, %sign3A_110 : i32
        %sign3A_112 = arith.constant 0 : i32
        %sign3A_113 = arith.cmpi sgt, %jit3A_105, %sign3A_112 : i32
        %sign3A_114 = arith.extui %sign3A_113 : i1 to i32
        %sign3A_115 = arith.constant 0 : i32
        %sign3A_116 = arith.cmpi slt, %jit3A_105, %sign3A_115 : i32
        %sign3A_117 = arith.extui %sign3A_116 : i1 to i32
        %sign3A_118 = arith.subi %sign3A_114, %sign3A_117 : i32
        %ne3A = arith.cmpi ne, %sign3A_111, %sign3A_118 : i32
        %rem3A = arith.remsi %add3A_104, %jit3A_105 : i32
        %ne3A_119 = arith.constant 0 : i32
        %ne3A_120 = arith.cmpi ne, %rem3A, %ne3A_119 : i32
        %and3A = arith.andi %ne3A, %ne3A_120 : i1
        %sub3A_121 = arith.constant 1 : i32
        %sub3A_122 = arith.subi %div3A, %sub3A_121 : i32
        %select_n3A_123 = arith.select %and3A, %sub3A_122, %div3A : i32
        %add3A_124 = arith.addi %while3A_100, %select_n3A_123 : i32
        %broadcast_in_dim3A_125 = arith.constant 0.000000e+00 : f32
        %broadcast_in_dim3A_126 = vector.broadcast %broadcast_in_dim3A_125 : f32 to vector<16xf32>
        %scan3A_127 = arith.constant 0 : i32
        %scan3A_128 = arith.constant 546 : i32
        %scan3A_129 = arith.addi %scan3A_127, %scan3A_128 : i32
        %scan3A_130 = arith.constant 1 : i32
        %scan3A_131 = scf.for %scan3A_184 = %scan3A_127 to %scan3A_129 step %scan3A_130 iter_args(%scan3A_185 = %broadcast_in_dim3A_126) -> (vector<16xf32>)  : i32 {
          %mul3A_186 = arith.constant 16 : i32
          %mul3A_187 = arith.muli %scan3A_184, %mul3A_186 : i32
          %get3A_188 = arith.index_cast %mul3A_187 : i32 to index
          %get3A_189 = tpu.vector_load %arg5[%get3A_188] {strides = array<i32>} : memref<8736xf32, #tpu.memory_space<vmem>>, vector<16xf32>,
          %get3A_190 = vector.shape_cast %get3A_189 : vector<16xf32> to vector<16xf32>
          %bitcast_convert_type3A_191 = tpu.bitcast %get3A_190 : vector<16xf32> -> vector<16xi32>
          %ge3A_192 = vector.broadcast %add3A_124 : i32 to vector<16xi32>
          %ge3A_193 = arith.cmpi sge, %bitcast_convert_type3A_191, %ge3A_192 : vector<16xi32>
          %jit3A_194 = arith.constant 1.000000e+00 : f32
          %jit3A_195 = arith.constant 0.000000e+00 : f32
          %broadcast_in_dim3A_196 = vector.broadcast %jit3A_194 : f32 to vector<16xf32>
          %broadcast_in_dim3A_197 = vector.broadcast %jit3A_195 : f32 to vector<16xf32>
          %select_n3A_198 = arith.select %ge3A_193, %broadcast_in_dim3A_196, %broadcast_in_dim3A_197 : vector<16xi1>, vector<16xf32>
          %add3A_199 = arith.addf %scan3A_185, %select_n3A_198 : vector<16xf32>
          scf.yield %add3A_199 : vector<16xf32>
        }
        %scan3A_132 = arith.constant 546 : i32
        %slice3A_133 = vector.extract_strided_slice %scan3A_131 {offsets = [0], sizes = [1], strides = [1]} : vector<16xf32> to vector<1xf32>
        %squeeze3A_134 = vector.extract %slice3A_133[0] : f32 from vector<1xf32>
        %slice3A_135 = vector.extract_strided_slice %scan3A_131 {offsets = [1], sizes = [1], strides = [1]} : vector<16xf32> to vector<1xf32>
        %squeeze3A_136 = vector.extract %slice3A_135[0] : f32 from vector<1xf32>
        %add3A_137 = arith.addf %squeeze3A_134, %squeeze3A_136 : f32
        %slice3A_138 = vector.extract_strided_slice %scan3A_131 {offsets = [2], sizes = [1], strides = [1]} : vector<16xf32> to vector<1xf32>
        %squeeze3A_139 = vector.extract %slice3A_138[0] : f32 from vector<1xf32>
        %add3A_140 = arith.addf %add3A_137, %squeeze3A_139 : f32
        %slice3A_141 = vector.extract_strided_slice %scan3A_131 {offsets = [3], sizes = [1], strides = [1]} : vector<16xf32> to vector<1xf32>
        %squeeze3A_142 = vector.extract %slice3A_141[0] : f32 from vector<1xf32>
        %add3A_143 = arith.addf %add3A_140, %squeeze3A_142 : f32
        %slice3A_144 = vector.extract_strided_slice %scan3A_131 {offsets = [4], sizes = [1], strides = [1]} : vector<16xf32> to vector<1xf32>
        %squeeze3A_145 = vector.extract %slice3A_144[0] : f32 from vector<1xf32>
        %add3A_146 = arith.addf %add3A_143, %squeeze3A_145 : f32
        %slice3A_147 = vector.extract_strided_slice %scan3A_131 {offsets = [5], sizes = [1], strides = [1]} : vector<16xf32> to vector<1xf32>
        %squeeze3A_148 = vector.extract %slice3A_147[0] : f32 from vector<1xf32>
        %add3A_149 = arith.addf %add3A_146, %squeeze3A_148 : f32
        %slice3A_150 = vector.extract_strided_slice %scan3A_131 {offsets = [6], sizes = [1], strides = [1]} : vector<16xf32> to vector<1xf32>
        %squeeze3A_151 = vector.extract %slice3A_150[0] : f32 from vector<1xf32>
        %add3A_152 = arith.addf %add3A_149, %squeeze3A_151 : f32
        %slice3A_153 = vector.extract_strided_slice %scan3A_131 {offsets = [7], sizes = [1], strides = [1]} : vector<16xf32> to vector<1xf32>
        %squeeze3A_154 = vector.extract %slice3A_153[0] : f32 from vector<1xf32>
        %add3A_155 = arith.addf %add3A_152, %squeeze3A_154 : f32
        %slice3A_156 = vector.extract_strided_slice %scan3A_131 {offsets = [8], sizes = [1], strides = [1]} : vector<16xf32> to vector<1xf32>
        %squeeze3A_157 = vector.extract %slice3A_156[0] : f32 from vector<1xf32>
        %add3A_158 = arith.addf %add3A_155, %squeeze3A_157 : f32
        %slice3A_159 = vector.extract_strided_slice %scan3A_131 {offsets = [9], sizes = [1], strides = [1]} : vector<16xf32> to vector<1xf32>
        %squeeze3A_160 = vector.extract %slice3A_159[0] : f32 from vector<1xf32>
        %add3A_161 = arith.addf %add3A_158, %squeeze3A_160 : f32
        %slice3A_162 = vector.extract_strided_slice %scan3A_131 {offsets = [10], sizes = [1], strides = [1]} : vector<16xf32> to vector<1xf32>
        %squeeze3A_163 = vector.extract %slice3A_162[0] : f32 from vector<1xf32>
        %add3A_164 = arith.addf %add3A_161, %squeeze3A_163 : f32
        %slice3A_165 = vector.extract_strided_slice %scan3A_131 {offsets = [11], sizes = [1], strides = [1]} : vector<16xf32> to vector<1xf32>
        %squeeze3A_166 = vector.extract %slice3A_165[0] : f32 from vector<1xf32>
        %add3A_167 = arith.addf %add3A_164, %squeeze3A_166 : f32
        %slice3A_168 = vector.extract_strided_slice %scan3A_131 {offsets = [12], sizes = [1], strides = [1]} : vector<16xf32> to vector<1xf32>
        %squeeze3A_169 = vector.extract %slice3A_168[0] : f32 from vector<1xf32>
        %add3A_170 = arith.addf %add3A_167, %squeeze3A_169 : f32
        %slice3A_171 = vector.extract_strided_slice %scan3A_131 {offsets = [13], sizes = [1], strides = [1]} : vector<16xf32> to vector<1xf32>
        %squeeze3A_172 = vector.extract %slice3A_171[0] : f32 from vector<1xf32>
        %add3A_173 = arith.addf %add3A_170, %squeeze3A_172 : f32
        %slice3A_174 = vector.extract_strided_slice %scan3A_131 {offsets = [14], sizes = [1], strides = [1]} : vector<16xf32> to vector<1xf32>
        %squeeze3A_175 = vector.extract %slice3A_174[0] : f32 from vector<1xf32>
        %add3A_176 = arith.addf %add3A_173, %squeeze3A_175 : f32
        %slice3A_177 = vector.extract_strided_slice %scan3A_131 {offsets = [15], sizes = [1], strides = [1]} : vector<16xf32> to vector<1xf32>
        %squeeze3A_178 = vector.extract %slice3A_177[0] : f32 from vector<1xf32>
        %add3A_179 = arith.addf %add3A_176, %squeeze3A_178 : f32
        %ge3A = arith.cmpf oge, %add3A_179, %convert_element_type3A_15 : f32
        %select_n3A_180 = arith.select %ge3A, %add3A_124, %while3A_100 : i32
        %sub3A_181 = arith.constant 1 : i32
        %sub3A_182 = arith.subi %add3A_124, %sub3A_181 : i32
        %select_n3A_183 = arith.select %ge3A, %while3A_101, %sub3A_182 : i32
        scf.yield %select_n3A_180, %select_n3A_183 : i32, i32
      }
      %broadcast_in_dim3A = arith.constant 0.000000e+00 : f32
      %broadcast_in_dim3A_29 = vector.broadcast %broadcast_in_dim3A : f32 to vector<16xf32>
      %broadcast_in_dim3A_30 = arith.constant 0.000000e+00 : f32
      %broadcast_in_dim3A_31 = vector.broadcast %broadcast_in_dim3A_30 : f32 to vector<16xf32>
      %scan3A_32 = arith.constant 0 : i32
      %scan3A_33 = arith.constant 546 : i32
      %scan3A_34 = arith.addi %scan3A_32, %scan3A_33 : i32
      %scan3A_35 = arith.constant 1 : i32
      %scan3A_36:2 = scf.for %scan3A_99 = %scan3A_32 to %scan3A_34 step %scan3A_35 iter_args(%scan3A_100 = %broadcast_in_dim3A_29, %scan3A_101 = %broadcast_in_dim3A_31) -> (vector<16xf32>, vector<16xf32>)  : i32 {
        %mul3A_102 = arith.constant 16 : i32
        %mul3A_103 = arith.muli %scan3A_99, %mul3A_102 : i32
        %get3A_104 = arith.index_cast %mul3A_103 : i32 to index
        %get3A_105 = tpu.vector_load %arg5[%get3A_104] {strides = array<i32>} : memref<8736xf32, #tpu.memory_space<vmem>>, vector<16xf32>,
        %get3A_106 = vector.shape_cast %get3A_105 : vector<16xf32> to vector<16xf32>
        %bitcast_convert_type3A_107 = tpu.bitcast %get3A_106 : vector<16xf32> -> vector<16xi32>
        %gt3A_108 = vector.broadcast %while3A_28#0 : i32 to vector<16xi32>
        %gt3A_109 = arith.cmpi sgt, %bitcast_convert_type3A_107, %gt3A_108 : vector<16xi32>
        %jit3A_110 = arith.constant 0.000000e+00 : f32
        %broadcast_in_dim3A_111 = vector.broadcast %jit3A_110 : f32 to vector<16xf32>
        %select_n3A_112 = arith.select %gt3A_109, %get3A_106, %broadcast_in_dim3A_111 : vector<16xi1>, vector<16xf32>
        %add3A_113 = arith.addf %scan3A_100, %select_n3A_112 : vector<16xf32>
        %jit3A_114 = arith.constant 1.000000e+00 : f32
        %jit3A_115 = arith.constant 0.000000e+00 : f32
        %broadcast_in_dim3A_116 = vector.broadcast %jit3A_114 : f32 to vector<16xf32>
        %broadcast_in_dim3A_117 = vector.broadcast %jit3A_115 : f32 to vector<16xf32>
        %select_n3A_118 = arith.select %gt3A_109, %broadcast_in_dim3A_116, %broadcast_in_dim3A_117 : vector<16xi1>, vector<16xf32>
        %add3A_119 = arith.addf %scan3A_101, %select_n3A_118 : vector<16xf32>
        scf.yield %add3A_113, %add3A_119 : vector<16xf32>, vector<16xf32>
      }
      %scan3A_37 = arith.constant 546 : i32
      %slice3A_38 = vector.extract_strided_slice %scan3A_36#1 {offsets = [0], sizes = [1], strides = [1]} : vector<16xf32> to vector<1xf32>
      %squeeze3A_39 = vector.extract %slice3A_38[0] : f32 from vector<1xf32>
      %slice3A_40 = vector.extract_strided_slice %scan3A_36#1 {offsets = [1], sizes = [1], strides = [1]} : vector<16xf32> to vector<1xf32>
      %squeeze3A_41 = vector.extract %slice3A_40[0] : f32 from vector<1xf32>
      %add3A_42 = arith.addf %squeeze3A_39, %squeeze3A_41 : f32
      %slice3A_43 = vector.extract_strided_slice %scan3A_36#1 {offsets = [2], sizes = [1], strides = [1]} : vector<16xf32> to vector<1xf32>
      %squeeze3A_44 = vector.extract %slice3A_43[0] : f32 from vector<1xf32>
      %add3A_45 = arith.addf %add3A_42, %squeeze3A_44 : f32
      %slice3A_46 = vector.extract_strided_slice %scan3A_36#1 {offsets = [3], sizes = [1], strides = [1]} : vector<16xf32> to vector<1xf32>
      %squeeze3A_47 = vector.extract %slice3A_46[0] : f32 from vector<1xf32>
      %add3A_48 = arith.addf %add3A_45, %squeeze3A_47 : f32
      %slice3A_49 = vector.extract_strided_slice %scan3A_36#1 {offsets = [4], sizes = [1], strides = [1]} : vector<16xf32> to vector<1xf32>
      %squeeze3A_50 = vector.extract %slice3A_49[0] : f32 from vector<1xf32>
      %add3A_51 = arith.addf %add3A_48, %squeeze3A_50 : f32
      %slice3A_52 = vector.extract_strided_slice %scan3A_36#1 {offsets = [5], sizes = [1], strides = [1]} : vector<16xf32> to vector<1xf32>
      %squeeze3A_53 = vector.extract %slice3A_52[0] : f32 from vector<1xf32>
      %add3A_54 = arith.addf %add3A_51, %squeeze3A_53 : f32
      %slice3A_55 = vector.extract_strided_slice %scan3A_36#1 {offsets = [6], sizes = [1], strides = [1]} : vector<16xf32> to vector<1xf32>
      %squeeze3A_56 = vector.extract %slice3A_55[0] : f32 from vector<1xf32>
      %add3A_57 = arith.addf %add3A_54, %squeeze3A_56 : f32
      %slice3A_58 = vector.extract_strided_slice %scan3A_36#1 {offsets = [7], sizes = [1], strides = [1]} : vector<16xf32> to vector<1xf32>
      %squeeze3A_59 = vector.extract %slice3A_58[0] : f32 from vector<1xf32>
      %add3A_60 = arith.addf %add3A_57, %squeeze3A_59 : f32
      %slice3A_61 = vector.extract_strided_slice %scan3A_36#1 {offsets = [8], sizes = [1], strides = [1]} : vector<16xf32> to vector<1xf32>
      %squeeze3A_62 = vector.extract %slice3A_61[0] : f32 from vector<1xf32>
      %add3A_63 = arith.addf %add3A_60, %squeeze3A_62 : f32
      %slice3A_64 = vector.extract_strided_slice %scan3A_36#1 {offsets = [9], sizes = [1], strides = [1]} : vector<16xf32> to vector<1xf32>
      %squeeze3A_65 = vector.extract %slice3A_64[0] : f32 from vector<1xf32>
      %add3A_66 = arith.addf %add3A_63, %squeeze3A_65 : f32
      %slice3A_67 = vector.extract_strided_slice %scan3A_36#1 {offsets = [10], sizes = [1], strides = [1]} : vector<16xf32> to vector<1xf32>
      %squeeze3A_68 = vector.extract %slice3A_67[0] : f32 from vector<1xf32>
      %add3A_69 = arith.addf %add3A_66, %squeeze3A_68 : f32
      %slice3A_70 = vector.extract_strided_slice %scan3A_36#1 {offsets = [11], sizes = [1], strides = [1]} : vector<16xf32> to vector<1xf32>
      %squeeze3A_71 = vector.extract %slice3A_70[0] : f32 from vector<1xf32>
      %add3A_72 = arith.addf %add3A_69, %squeeze3A_71 : f32
      %slice3A_73 = vector.extract_strided_slice %scan3A_36#1 {offsets = [12], sizes = [1], strides = [1]} : vector<16xf32> to vector<1xf32>
      %squeeze3A_74 = vector.extract %slice3A_73[0] : f32 from vector<1xf32>
      %add3A_75 = arith.addf %add3A_72, %squeeze3A_74 : f32
      %slice3A_76 = vector.extract_strided_slice %scan3A_36#1 {offsets = [13], sizes = [1], strides = [1]} : vector<16xf32> to vector<1xf32>
      %squeeze3A_77 = vector.extract %slice3A_76[0] : f32 from vector<1xf32>
      %add3A_78 = arith.addf %add3A_75, %squeeze3A_77 : f32
      %slice3A_79 = vector.extract_strided_slice %scan3A_36#1 {offsets = [14], sizes = [1], strides = [1]} : vector<16xf32> to vector<1xf32>
      %squeeze3A_80 = vector.extract %slice3A_79[0] : f32 from vector<1xf32>
      %add3A_81 = arith.addf %add3A_78, %squeeze3A_80 : f32
      %slice3A_82 = vector.extract_strided_slice %scan3A_36#1 {offsets = [15], sizes = [1], strides = [1]} : vector<16xf32> to vector<1xf32>
      %squeeze3A_83 = vector.extract %slice3A_82[0] : f32 from vector<1xf32>
      %add3A_84 = arith.addf %add3A_81, %squeeze3A_83 : f32
      %bitcast_convert_type3A = arith.bitcast %while3A_28#0 : i32 to f32
      %gt3A = arith.cmpf ogt, %convert_element_type3A_15, %add3A_84 : f32
      %sub3A_85 = arith.subf %convert_element_type3A_15, %add3A_84 : f32
      %mul3A_86 = arith.mulf %sub3A_85, %bitcast_convert_type3A : f32
      %jit3A_87 = arith.constant 0.000000e+00 : f32
      %select_n3A_88 = arith.select %gt3A, %mul3A_86, %jit3A_87 : f32
      %iota3A = tpu.iota {dimensions = array<i32: 0>} : vector<16xi32>
      %eq3A = arith.constant 0 : i32
      %eq3A_89 = vector.broadcast %eq3A : i32 to vector<16xi32>
      %eq3A_90 = arith.cmpi eq, %iota3A, %eq3A_89 : vector<16xi32>
      %jit3A_91 = arith.constant 0.000000e+00 : f32
      %broadcast_in_dim3A_92 = vector.broadcast %select_n3A_88 : f32 to vector<16xf32>
      %broadcast_in_dim3A_93 = vector.broadcast %jit3A_91 : f32 to vector<16xf32>
      %select_n3A_94 = arith.select %eq3A_90, %broadcast_in_dim3A_92, %broadcast_in_dim3A_93 : vector<16xi1>, vector<16xf32>
      %add3A_95 = arith.addf %scan3A_36#0, %select_n3A_94 : vector<16xf32>
      %swap3A = arith.constant 0 : index
      %swap3A_96 = tpu.vector_load %arg7[%swap3A] {strides = array<i32>} : memref<16xf32, #tpu.memory_space<vmem>>, vector<16xf32>,
      %swap3A_97 = vector.shape_cast %swap3A_96 : vector<16xf32> to vector<16xf32>
      %swap3A_98 = vector.shape_cast %add3A_95 : vector<16xf32> to vector<16xf32>
      tpu.vector_store %arg7[%swap3A], %swap3A_98 {strides = array<i32>} : memref<16xf32, #tpu.memory_space<vmem>>, vector<16xf32>,
      "tpu.region"() ({
        %run_scoped3A = tpu.sem_alloc : memref<!tpu.dma_semaphore, #tpu.memory_space<semaphore_mem>>
        %dma_start3A = arith.constant 0 : i32
        %dma_start3A_99 = tpu.memref_slice %arg4[%add3A_9, %dma_start3A] : memref<64x16xf32, #tpu.memory_space<hbm>> -> memref<1x16xf32, #tpu.memory_space<hbm>>
        %dma_start3A_100 = tpu.memref_squeeze %dma_start3A_99 : memref<1x16xf32, #tpu.memory_space<hbm>> -> memref<16xf32, #tpu.memory_space<hbm>>
        %dma_start3A_101 = arith.constant 0 : i32
        %dma_start3A_102 = tpu.memref_slice %arg4[%add3A_9, %dma_start3A_101] : memref<64x16xf32, #tpu.memory_space<hbm>> -> memref<1x16xf32, #tpu.memory_space<hbm>>
        %dma_start3A_103 = tpu.memref_squeeze %dma_start3A_102 : memref<1x16xf32, #tpu.memory_space<hbm>> -> memref<16xf32, #tpu.memory_space<hbm>>
        tpu.enqueue_dma source(%arg7 : memref<16xf32, #tpu.memory_space<vmem>>) target(%dma_start3A_103 : memref<16xf32, #tpu.memory_space<hbm>>) target_semaphore(%run_scoped3A : memref<!tpu.dma_semaphore, #tpu.memory_space<semaphore_mem>>)
        %dma_wait3A = arith.constant 0 : i32
        %dma_wait3A_104 = tpu.memref_slice %arg4[%add3A_9, %dma_wait3A] : memref<64x16xf32, #tpu.memory_space<hbm>> -> memref<1x16xf32, #tpu.memory_space<hbm>>
        %dma_wait3A_105 = tpu.memref_squeeze %dma_wait3A_104 : memref<1x16xf32, #tpu.memory_space<hbm>> -> memref<16xf32, #tpu.memory_space<hbm>>
        %dma_wait3A_106 = arith.constant 0 : i32
        %dma_wait3A_107 = tpu.memref_slice %arg4[%add3A_9, %dma_wait3A_106] : memref<64x16xf32, #tpu.memory_space<hbm>> -> memref<1x16xf32, #tpu.memory_space<hbm>>
        %dma_wait3A_108 = tpu.memref_squeeze %dma_wait3A_107 : memref<1x16xf32, #tpu.memory_space<hbm>> -> memref<16xf32, #tpu.memory_space<hbm>>
        tpu.wait_dma2 semaphore(%run_scoped3A : memref<!tpu.dma_semaphore, #tpu.memory_space<semaphore_mem>>) src(%arg7 : memref<16xf32, #tpu.memory_space<vmem>>) dst(%dma_wait3A_108 : memref<16xf32, #tpu.memory_space<hbm>>)
        tpu.yield
      }) : () -> ()
    }
    %scan3A_5 = arith.constant 2 : i32
    return
  }
}

module attributes {stable_mosaic.version = 14 : i64} {
  func.func @_ssd_row_kernel(%arg0: i32, %arg1: i32, %arg2: memref<27x8x8732xf32, #tpu.memory_space<vmem>>, %arg3: memref<27x1x1xf32, #tpu.memory_space<vmem>>, %arg4: memref<1x8x8732xi32, #tpu.memory_space<vmem>>, %arg5: memref<8x4x8732xf32, #tpu.memory_space<vmem>>, %arg6: memref<8x4x8732xf32, #tpu.memory_space<vmem>>, %arg7: memref<1x1xf32, #tpu.memory_space<vmem>>, %arg8: memref<1x1xf32, #tpu.memory_space<vmem>>, %arg9: memref<1x1xf32, #tpu.memory_space<vmem>>, %arg10: memref<8x1x8736xf32, #tpu.memory_space<vmem>>, %arg11: memref<8x1x16xf32, #tpu.memory_space<vmem>>, %arg12: memref<8x8732xf32, #tpu.memory_space<vmem>>, %arg13: memref<8x8732xf32, #tpu.memory_space<vmem>>, %arg14: memref<8x8732xf32, #tpu.memory_space<vmem>>) attributes {dimension_semantics = [#tpu.dimension_semantics<arbitrary>, #tpu.dimension_semantics<arbitrary>], iteration_bounds = array<i64: 8, 3>, scalar_prefetch = 0 : i64, scratch_operands = 3 : i64, tpu.core_type = #tpu.core_type<tc>, window_params = [{transform_indices = @transform_0, window_bounds = array<i64: 27, 8, 8732>}, {transform_indices = @transform_1, window_bounds = array<i64: 27, 1, 1>}, {transform_indices = @transform_2, window_bounds = array<i64: 1, 8, 8732>}, {transform_indices = @transform_3, window_bounds = array<i64: 8, 4, 8732>}, {transform_indices = @transform_4, window_bounds = array<i64: 8, 4, 8732>}, {pipeline_mode = #tpu.pipeline_mode<synchronous>, transform_indices = @transform_5, window_bounds = array<i64: 1, 1>}, {pipeline_mode = #tpu.pipeline_mode<synchronous>, transform_indices = @transform_6, window_bounds = array<i64: 1, 1>}, {pipeline_mode = #tpu.pipeline_mode<synchronous>, transform_indices = @transform_7, window_bounds = array<i64: 1, 1>}, {transform_indices = @transform_8, window_bounds = array<i64: 8, 1, 8736>}, {transform_indices = @transform_9, window_bounds = array<i64: 8, 1, 16>}]} {
    %get3A = arith.constant 0 : index
    %get3A_0 = arith.constant 0 : index
    %get3A_1 = arith.constant 0 : index
    %get3A_2 = vector.load %arg2[%get3A, %get3A_0, %get3A_1] : memref<27x8x8732xf32, #tpu.memory_space<vmem>>, vector<27x8x8732xf32>
    %get3A_3 = arith.constant 0 : index
    %get3A_4 = arith.constant 0 : index
    %get3A_5 = arith.constant 0 : index
    %get3A_6 = vector.load %arg4[%get3A_3, %get3A_4, %get3A_5] : memref<1x8x8732xi32, #tpu.memory_space<vmem>>, vector<1x8x8732xi32>
    %get3A_7 = vector.shape_cast %get3A_6 : vector<1x8x8732xi32> to vector<8x8732xi32>
    %get3A_8 = arith.constant 0 : index
    %get3A_9 = arith.constant 0 : index
    %get3A_10 = arith.constant 0 : index
    %get3A_11 = vector.load %arg3[%get3A_8, %get3A_9, %get3A_10] : memref<27x1x1xf32, #tpu.memory_space<vmem>>, vector<27x1x1xf32>
    %jit3A = arith.constant 0 : i32
    %jit3A_12 = arith.constant 80 : i32
    %max3A = vector.broadcast %jit3A : i32 to vector<8x8732xi32>
    %max3A_13 = arith.maxsi %max3A, %get3A_7 : vector<8x8732xi32>
    %min3A = vector.broadcast %jit3A_12 : i32 to vector<8x8732xi32>
    %min3A_14 = arith.minsi %min3A, %max3A_13 : vector<8x8732xi32>
    %broadcast_in_dim3A = vector.shape_cast %min3A_14 : vector<8x8732xi32> to vector<1x8x8732xi32>
    %iota3A = tpu.iota {dimensions = array<i32: 0>} : vector<27x8x8732xi32>
    %mul3A = arith.constant 27 : i32
    %mul3A_15 = arith.muli %arg1, %mul3A : i32
    %add3A = vector.broadcast %mul3A_15 : i32 to vector<27x8x8732xi32>
    %add3A_16 = arith.addi %iota3A, %add3A : vector<27x8x8732xi32>
    %eq3A = vector.broadcast %broadcast_in_dim3A : vector<1x8x8732xi32> to vector<27x8x8732xi32>
    %eq3A_17 = arith.cmpi eq, %add3A_16, %eq3A : vector<27x8x8732xi32>
    %exp3A = math.exp %get3A_2 : vector<27x8x8732xf32>
    %reduce_sum3A = arith.constant dense<0.000000e+00> : vector<8x8732xf32>
    %reduce_sum3A_18 = vector.multi_reduction <add>, %exp3A, %reduce_sum3A [0] : vector<27x8x8732xf32> to vector<8x8732xf32>
    %jit3A_19 = arith.constant 0.000000e+00 : f32
    %broadcast_in_dim3A_20 = vector.broadcast %jit3A_19 : f32 to vector<27x8x8732xf32>
    %select_n3A = arith.select %eq3A_17, %get3A_2, %broadcast_in_dim3A_20 : vector<27x8x8732xi1>, vector<27x8x8732xf32>
    %reduce_sum3A_21 = arith.constant dense<0.000000e+00> : vector<8x8732xf32>
    %reduce_sum3A_22 = vector.multi_reduction <add>, %select_n3A, %reduce_sum3A_21 [0] : vector<27x8x8732xf32> to vector<8x8732xf32>
    %jit3A_23 = arith.constant 0.000000e+00 : f32
    %broadcast_in_dim3A_24 = vector.shape_cast %get3A_11 : vector<27x1x1xf32> to vector<27x1x1xf32>
    %broadcast_in_dim3A_25 = vector.broadcast %broadcast_in_dim3A_24 : vector<27x1x1xf32> to vector<27x8x8732xf32>
    %broadcast_in_dim3A_26 = vector.broadcast %jit3A_23 : f32 to vector<27x8x8732xf32>
    %select_n3A_27 = arith.select %eq3A_17, %broadcast_in_dim3A_25, %broadcast_in_dim3A_26 : vector<27x8x8732xi1>, vector<27x8x8732xf32>
    %reduce_sum3A_28 = arith.constant dense<0.000000e+00> : vector<8x8732xf32>
    %reduce_sum3A_29 = vector.multi_reduction <add>, %select_n3A_27, %reduce_sum3A_28 [0] : vector<27x8x8732xf32> to vector<8x8732xf32>
    %eq3A_30 = arith.constant 0 : i32
    %eq3A_31 = arith.cmpi eq, %arg1, %eq3A_30 : i32
    %convert_element_type3A = arith.extui %eq3A_31 : i1 to i32
    %cond3A = arith.constant 0 : i32
    %cond3A_32 = arith.cmpi ne, %convert_element_type3A, %cond3A : i32
    scf.if %cond3A_32 {
      %swap3A = arith.constant 0 : index
      %swap3A_42 = arith.constant 0 : index
      %swap3A_43 = vector.load %arg12[%swap3A, %swap3A_42] : memref<8x8732xf32, #tpu.memory_space<vmem>>, vector<8x8732xf32>
      tpu.vector_store %arg12[%swap3A, %swap3A_42], %reduce_sum3A_18 {strides = array<i32>} : memref<8x8732xf32, #tpu.memory_space<vmem>>, vector<8x8732xf32>,
      %swap3A_44 = arith.constant 0 : index
      %swap3A_45 = arith.constant 0 : index
      %swap3A_46 = vector.load %arg13[%swap3A_44, %swap3A_45] : memref<8x8732xf32, #tpu.memory_space<vmem>>, vector<8x8732xf32>
      tpu.vector_store %arg13[%swap3A_44, %swap3A_45], %reduce_sum3A_22 {strides = array<i32>} : memref<8x8732xf32, #tpu.memory_space<vmem>>, vector<8x8732xf32>,
      %swap3A_47 = arith.constant 0 : index
      %swap3A_48 = arith.constant 0 : index
      %swap3A_49 = vector.load %arg14[%swap3A_47, %swap3A_48] : memref<8x8732xf32, #tpu.memory_space<vmem>>, vector<8x8732xf32>
      tpu.vector_store %arg14[%swap3A_47, %swap3A_48], %reduce_sum3A_29 {strides = array<i32>} : memref<8x8732xf32, #tpu.memory_space<vmem>>, vector<8x8732xf32>,
    } else {
    }
    %gt3A = arith.constant 0 : i32
    %gt3A_33 = arith.cmpi sgt, %arg1, %gt3A : i32
    %convert_element_type3A_34 = arith.extui %gt3A_33 : i1 to i32
    %cond3A_35 = arith.constant 0 : i32
    %cond3A_36 = arith.cmpi ne, %convert_element_type3A_34, %cond3A_35 : i32
    scf.if %cond3A_36 {
      %get3A_42 = arith.constant 0 : index
      %get3A_43 = arith.constant 0 : index
      %get3A_44 = vector.load %arg12[%get3A_42, %get3A_43] : memref<8x8732xf32, #tpu.memory_space<vmem>>, vector<8x8732xf32>
      %add3A_45 = arith.addf %get3A_44, %reduce_sum3A_18 : vector<8x8732xf32>
      %swap3A = arith.constant 0 : index
      %swap3A_46 = arith.constant 0 : index
      %swap3A_47 = vector.load %arg12[%swap3A, %swap3A_46] : memref<8x8732xf32, #tpu.memory_space<vmem>>, vector<8x8732xf32>
      tpu.vector_store %arg12[%swap3A, %swap3A_46], %add3A_45 {strides = array<i32>} : memref<8x8732xf32, #tpu.memory_space<vmem>>, vector<8x8732xf32>,
      %get3A_48 = arith.constant 0 : index
      %get3A_49 = arith.constant 0 : index
      %get3A_50 = vector.load %arg13[%get3A_48, %get3A_49] : memref<8x8732xf32, #tpu.memory_space<vmem>>, vector<8x8732xf32>
      %add3A_51 = arith.addf %get3A_50, %reduce_sum3A_22 : vector<8x8732xf32>
      %swap3A_52 = arith.constant 0 : index
      %swap3A_53 = arith.constant 0 : index
      %swap3A_54 = vector.load %arg13[%swap3A_52, %swap3A_53] : memref<8x8732xf32, #tpu.memory_space<vmem>>, vector<8x8732xf32>
      tpu.vector_store %arg13[%swap3A_52, %swap3A_53], %add3A_51 {strides = array<i32>} : memref<8x8732xf32, #tpu.memory_space<vmem>>, vector<8x8732xf32>,
      %get3A_55 = arith.constant 0 : index
      %get3A_56 = arith.constant 0 : index
      %get3A_57 = vector.load %arg14[%get3A_55, %get3A_56] : memref<8x8732xf32, #tpu.memory_space<vmem>>, vector<8x8732xf32>
      %add3A_58 = arith.addf %get3A_57, %reduce_sum3A_29 : vector<8x8732xf32>
      %swap3A_59 = arith.constant 0 : index
      %swap3A_60 = arith.constant 0 : index
      %swap3A_61 = vector.load %arg14[%swap3A_59, %swap3A_60] : memref<8x8732xf32, #tpu.memory_space<vmem>>, vector<8x8732xf32>
      tpu.vector_store %arg14[%swap3A_59, %swap3A_60], %add3A_58 {strides = array<i32>} : memref<8x8732xf32, #tpu.memory_space<vmem>>, vector<8x8732xf32>,
    } else {
    }
    %eq3A_37 = arith.constant 2 : i32
    %eq3A_38 = arith.cmpi eq, %arg1, %eq3A_37 : i32
    %convert_element_type3A_39 = arith.extui %eq3A_38 : i1 to i32
    %cond3A_40 = arith.constant 0 : i32
    %cond3A_41 = arith.cmpi ne, %convert_element_type3A_39, %cond3A_40 : i32
    scf.if %cond3A_41 {
      %get3A_42 = arith.constant 0 : index
      %get3A_43 = arith.constant 0 : index
      %get3A_44 = vector.load %arg12[%get3A_42, %get3A_43] : memref<8x8732xf32, #tpu.memory_space<vmem>>, vector<8x8732xf32>
      %log3A = math.log %get3A_44 : vector<8x8732xf32>
      %lt3A = arith.constant 0 : i32
      %lt3A_45 = vector.broadcast %lt3A : i32 to vector<8x8732xi32>
      %lt3A_46 = arith.cmpi slt, %get3A_7, %lt3A_45 : vector<8x8732xi32>
      %get3A_47 = arith.constant 0 : index
      %get3A_48 = arith.constant 0 : index
      %get3A_49 = vector.load %arg13[%get3A_47, %get3A_48] : memref<8x8732xf32, #tpu.memory_space<vmem>>, vector<8x8732xf32>
      %sub3A = arith.subf %log3A, %get3A_49 : vector<8x8732xf32>
      %get3A_50 = arith.constant 0 : index
      %get3A_51 = arith.constant 0 : index
      %get3A_52 = vector.load %arg14[%get3A_50, %get3A_51] : memref<8x8732xf32, #tpu.memory_space<vmem>>, vector<8x8732xf32>
      %mul3A_53 = arith.mulf %sub3A, %get3A_52 : vector<8x8732xf32>
      %jit3A_54 = arith.constant 0.000000e+00 : f32
      %broadcast_in_dim3A_55 = vector.broadcast %jit3A_54 : f32 to vector<8x8732xf32>
      %select_n3A_56 = arith.select %lt3A_46, %broadcast_in_dim3A_55, %mul3A_53 : vector<8x8732xi1>, vector<8x8732xf32>
      %gt3A_57 = arith.constant 0 : i32
      %gt3A_58 = vector.broadcast %gt3A_57 : i32 to vector<8x8732xi32>
      %gt3A_59 = arith.cmpi sgt, %get3A_7, %gt3A_58 : vector<8x8732xi32>
      %convert_element_type3A_60 = arith.extui %gt3A_59 : vector<8x8732xi1> to vector<8x8732xi32>
      %convert_element_type3A_61 = arith.sitofp %convert_element_type3A_60 : vector<8x8732xi32> to vector<8x8732xf32>
      %reduce_sum3A_62 = arith.constant dense<0.000000e+00> : vector<8xf32>
      %reduce_sum3A_63 = vector.multi_reduction <add>, %convert_element_type3A_61, %reduce_sum3A_62 [1] : vector<8x8732xf32> to vector<8xf32>
      %reduce_sum3A_64 = vector.shape_cast %reduce_sum3A_63 : vector<8xf32> to vector<1x8xf32>
      %reduce_sum3A_65 = arith.constant dense<0.000000e+00> : vector<1xf32>
      %reduce_sum3A_66 = vector.multi_reduction <add>, %reduce_sum3A_64, %reduce_sum3A_65 [1] : vector<1x8xf32> to vector<1xf32>
      %reduce_sum3A_67 = vector.shape_cast %reduce_sum3A_66 : vector<1xf32> to vector<1x1xf32>
      %reduce_sum3A_68 = vector.extract %reduce_sum3A_67[0, 0] : f32 from vector<1x1xf32>
      %mul3A_69 = arith.mulf %select_n3A_56, %convert_element_type3A_61 : vector<8x8732xf32>
      %reduce_sum3A_70 = vector.shape_cast %mul3A_69 : vector<8x8732xf32> to vector<1x8x8732xf32>
      %reduce_sum3A_71 = arith.constant dense<0.000000e+00> : vector<1xf32>
      %reduce_sum3A_72 = vector.multi_reduction <add>, %reduce_sum3A_70, %reduce_sum3A_71 [1, 2] : vector<1x8x8732xf32> to vector<1xf32>
      %reduce_sum3A_73 = vector.shape_cast %reduce_sum3A_72 : vector<1xf32> to vector<1x1x1xf32>
      %reduce_sum3A_74 = vector.extract %reduce_sum3A_73[0, 0, 0] : f32 from vector<1x1x1xf32>
      %jit3A_75 = arith.constant -1.000000e+00 : f32
      %broadcast_in_dim3A_76 = vector.broadcast %jit3A_75 : f32 to vector<8x8732xf32>
      %select_n3A_77 = arith.select %gt3A_59, %broadcast_in_dim3A_76, %select_n3A_56 : vector<8x8732xi1>, vector<8x8732xf32>
      %swap3A = arith.constant 0 : index
      %swap3A_78 = arith.constant 0 : index
      %swap3A_79 = arith.constant 0 : index
      %swap3A_80 = vector.load %arg10[%swap3A, %swap3A_78, %swap3A_79] : memref<8x1x8736xf32, #tpu.memory_space<vmem>>, vector<8x1x8732xf32>
      %swap3A_81 = vector.shape_cast %swap3A_80 : vector<8x1x8732xf32> to vector<8x8732xf32>
      %swap3A_82 = vector.shape_cast %select_n3A_77 : vector<8x8732xf32> to vector<8x1x8732xf32>
      tpu.vector_store %arg10[%swap3A, %swap3A_78, %swap3A_79], %swap3A_82 {strides = array<i32>} : memref<8x1x8736xf32, #tpu.memory_space<vmem>>, vector<8x1x8732xf32>,
      %broadcast_in_dim3A_83 = arith.constant -1.000000e+00 : f32
      %broadcast_in_dim3A_84 = vector.broadcast %broadcast_in_dim3A_83 : f32 to vector<8x4xf32>
      %swap3A_85 = arith.constant 0 : index
      %swap3A_86 = arith.constant 0 : index
      %swap3A_87 = arith.constant 8732 : index
      %swap3A_88 = vector.load %arg10[%swap3A_85, %swap3A_86, %swap3A_87] : memref<8x1x8736xf32, #tpu.memory_space<vmem>>, vector<8x1x4xf32>
      %swap3A_89 = vector.shape_cast %swap3A_88 : vector<8x1x4xf32> to vector<8x4xf32>
      %swap3A_90 = vector.shape_cast %broadcast_in_dim3A_84 : vector<8x4xf32> to vector<8x1x4xf32>
      tpu.vector_store %arg10[%swap3A_85, %swap3A_86, %swap3A_87], %swap3A_90 {strides = array<i32>} : memref<8x1x8736xf32, #tpu.memory_space<vmem>>, vector<8x1x4xf32>,
      %broadcast_in_dim3A_91 = vector.shape_cast %reduce_sum3A_63 : vector<8xf32> to vector<8x1xf32>
      %broadcast_in_dim3A_92 = vector.shape_cast %broadcast_in_dim3A_91 : vector<8x1xf32> to vector<8x1xf32>
      %broadcast_in_dim3A_93 = vector.broadcast %broadcast_in_dim3A_92 : vector<8x1xf32> to vector<8x16xf32>
      %swap3A_94 = arith.constant 0 : index
      %swap3A_95 = arith.constant 0 : index
      %swap3A_96 = arith.constant 0 : index
      %swap3A_97 = vector.load %arg11[%swap3A_94, %swap3A_95, %swap3A_96] : memref<8x1x16xf32, #tpu.memory_space<vmem>>, vector<8x1x16xf32>
      %swap3A_98 = vector.shape_cast %swap3A_97 : vector<8x1x16xf32> to vector<8x16xf32>
      %swap3A_99 = vector.shape_cast %broadcast_in_dim3A_93 : vector<8x16xf32> to vector<8x1x16xf32>
      tpu.vector_store %arg11[%swap3A_94, %swap3A_95, %swap3A_96], %swap3A_99 {strides = array<i32>} : memref<8x1x16xf32, #tpu.memory_space<vmem>>, vector<8x1x16xf32>,
      %get3A_100 = arith.constant 0 : index
      %get3A_101 = arith.constant 0 : index
      %get3A_102 = arith.constant 0 : index
      %get3A_103 = vector.load %arg5[%get3A_100, %get3A_101, %get3A_102] : memref<8x4x8732xf32, #tpu.memory_space<vmem>>, vector<8x4x8732xf32>
      %get3A_104 = arith.constant 0 : index
      %get3A_105 = arith.constant 0 : index
      %get3A_106 = arith.constant 0 : index
      %get3A_107 = vector.load %arg6[%get3A_104, %get3A_105, %get3A_106] : memref<8x4x8732xf32, #tpu.memory_space<vmem>>, vector<8x4x8732xf32>
      %sub3A_108 = arith.subf %get3A_103, %get3A_107 : vector<8x4x8732xf32>
      %abs3A = math.absf %sub3A_108 : vector<8x4x8732xf32>
      %lt3A_109 = arith.constant 1.000000e+00 : f32
      %lt3A_110 = vector.broadcast %lt3A_109 : f32 to vector<8x4x8732xf32>
      %lt3A_111 = arith.cmpf olt, %abs3A, %lt3A_110 : vector<8x4x8732xf32>
      %mul3A_112 = arith.constant 5.000000e-01 : f32
      %mul3A_113 = vector.broadcast %mul3A_112 : f32 to vector<8x4x8732xf32>
      %mul3A_114 = arith.mulf %mul3A_113, %abs3A : vector<8x4x8732xf32>
      %mul3A_115 = arith.mulf %mul3A_114, %abs3A : vector<8x4x8732xf32>
      %sub3A_116 = arith.constant 5.000000e-01 : f32
      %sub3A_117 = vector.broadcast %sub3A_116 : f32 to vector<8x4x8732xf32>
      %sub3A_118 = arith.subf %abs3A, %sub3A_117 : vector<8x4x8732xf32>
      %select_n3A_119 = arith.select %lt3A_111, %mul3A_115, %sub3A_118 : vector<8x4x8732xi1>, vector<8x4x8732xf32>
      %broadcast_in_dim3A_120 = vector.shape_cast %gt3A_59 : vector<8x8732xi1> to vector<8x1x8732xi1>
      %jit3A_121 = arith.constant 0.000000e+00 : f32
      %broadcast_in_dim3A_122 = vector.shape_cast %broadcast_in_dim3A_120 : vector<8x1x8732xi1> to vector<8x1x8732xi1>
      %broadcast_in_dim3A_123 = vector.broadcast %broadcast_in_dim3A_122 : vector<8x1x8732xi1> to vector<8x4x8732xi1>
      %broadcast_in_dim3A_124 = vector.broadcast %jit3A_121 : f32 to vector<8x4x8732xf32>
      %select_n3A_125 = arith.select %broadcast_in_dim3A_123, %select_n3A_119, %broadcast_in_dim3A_124 : vector<8x4x8732xi1>, vector<8x4x8732xf32>
      %reduce_sum3A_126 = arith.constant dense<0.000000e+00> : vector<8xf32>
      %reduce_sum3A_127 = vector.multi_reduction <add>, %select_n3A_125, %reduce_sum3A_126 [1, 2] : vector<8x4x8732xf32> to vector<8xf32>
      %iota3A_128 = tpu.iota {dimensions = array<i32: 1>} : vector<8x8732xi32>
      %eq3A_129 = arith.constant 0 : i32
      %eq3A_130 = vector.broadcast %eq3A_129 : i32 to vector<8x8732xi32>
      %eq3A_131 = arith.cmpi eq, %iota3A_128, %eq3A_130 : vector<8x8732xi32>
      %jit3A_132 = arith.constant 0 : i32
      %broadcast_in_dim3A_133 = vector.broadcast %jit3A_132 : i32 to vector<8x8732xi32>
      %select_n3A_134 = arith.select %eq3A_131, %get3A_7, %broadcast_in_dim3A_133 : vector<8x8732xi1>, vector<8x8732xi32>
      %reduce_sum3A_135 = arith.constant dense<0> : vector<8xi32>
      %reduce_sum3A_136 = vector.multi_reduction <add>, %select_n3A_134, %reduce_sum3A_135 [1] : vector<8x8732xi32> to vector<8xi32>
      %ne3A = arith.constant 0 : i32
      %ne3A_137 = vector.broadcast %ne3A : i32 to vector<8xi32>
      %ne3A_138 = arith.cmpi ne, %reduce_sum3A_136, %ne3A_137 : vector<8xi32>
      %jit3A_139 = arith.constant 0.000000e+00 : f32
      %broadcast_in_dim3A_140 = vector.broadcast %jit3A_139 : f32 to vector<8xf32>
      %select_n3A_141 = arith.select %ne3A_138, %reduce_sum3A_127, %broadcast_in_dim3A_140 : vector<8xi1>, vector<8xf32>
      %reduce_sum3A_142 = vector.shape_cast %select_n3A_141 : vector<8xf32> to vector<1x8xf32>
      %reduce_sum3A_143 = arith.constant dense<0.000000e+00> : vector<1xf32>
      %reduce_sum3A_144 = vector.multi_reduction <add>, %reduce_sum3A_142, %reduce_sum3A_143 [1] : vector<1x8xf32> to vector<1xf32>
      %reduce_sum3A_145 = vector.shape_cast %reduce_sum3A_144 : vector<1xf32> to vector<1x1xf32>
      %reduce_sum3A_146 = vector.extract %reduce_sum3A_145[0, 0] : f32 from vector<1x1xf32>
      %eq3A_147 = arith.constant 0 : i32
      %eq3A_148 = arith.cmpi eq, %arg0, %eq3A_147 : i32
      %convert_element_type3A_149 = arith.extui %eq3A_148 : i1 to i32
      %cond3A_150 = arith.constant 0 : i32
      %cond3A_151 = arith.cmpi ne, %convert_element_type3A_149, %cond3A_150 : i32
      scf.if %cond3A_151 {
        %broadcast_in_dim3A_176 = arith.constant 0.000000e+00 : f32
        %broadcast_in_dim3A_177 = vector.broadcast %broadcast_in_dim3A_176 : f32 to vector<1x1xf32>
        %swap3A_178 = arith.constant 0 : index
        %swap3A_179 = arith.constant 0 : index
        %swap3A_180 = vector.load %arg7[%swap3A_178, %swap3A_179] : memref<1x1xf32, #tpu.memory_space<vmem>>, vector<1x1xf32>
        tpu.vector_store %arg7[%swap3A_178, %swap3A_179], %broadcast_in_dim3A_177 {strides = array<i32>} : memref<1x1xf32, #tpu.memory_space<vmem>>, vector<1x1xf32>,
        %broadcast_in_dim3A_181 = arith.constant 0.000000e+00 : f32
        %broadcast_in_dim3A_182 = vector.broadcast %broadcast_in_dim3A_181 : f32 to vector<1x1xf32>
        %swap3A_183 = arith.constant 0 : index
        %swap3A_184 = arith.constant 0 : index
        %swap3A_185 = vector.load %arg8[%swap3A_183, %swap3A_184] : memref<1x1xf32, #tpu.memory_space<vmem>>, vector<1x1xf32>
        tpu.vector_store %arg8[%swap3A_183, %swap3A_184], %broadcast_in_dim3A_182 {strides = array<i32>} : memref<1x1xf32, #tpu.memory_space<vmem>>, vector<1x1xf32>,
        %broadcast_in_dim3A_186 = arith.constant 0.000000e+00 : f32
        %broadcast_in_dim3A_187 = vector.broadcast %broadcast_in_dim3A_186 : f32 to vector<1x1xf32>
        %swap3A_188 = arith.constant 0 : index
        %swap3A_189 = arith.constant 0 : index
        %swap3A_190 = vector.load %arg9[%swap3A_188, %swap3A_189] : memref<1x1xf32, #tpu.memory_space<vmem>>, vector<1x1xf32>
        tpu.vector_store %arg9[%swap3A_188, %swap3A_189], %broadcast_in_dim3A_187 {strides = array<i32>} : memref<1x1xf32, #tpu.memory_space<vmem>>, vector<1x1xf32>,
      } else {
      }
      %get3A_152 = arith.constant 0 : index
      %get3A_153 = arith.constant 0 : index
      %get3A_154 = vector.load %arg7[%get3A_152, %get3A_153] : memref<1x1xf32, #tpu.memory_space<vmem>>, vector<1x1xf32>
      %add3A_155 = vector.broadcast %reduce_sum3A_74 : f32 to vector<1x1xf32>
      %add3A_156 = arith.addf %get3A_154, %add3A_155 : vector<1x1xf32>
      %swap3A_157 = arith.constant 0 : index
      %swap3A_158 = arith.constant 0 : index
      %swap3A_159 = vector.load %arg7[%swap3A_157, %swap3A_158] : memref<1x1xf32, #tpu.memory_space<vmem>>, vector<1x1xf32>
      tpu.vector_store %arg7[%swap3A_157, %swap3A_158], %add3A_156 {strides = array<i32>} : memref<1x1xf32, #tpu.memory_space<vmem>>, vector<1x1xf32>,
      %get3A_160 = arith.constant 0 : index
      %get3A_161 = arith.constant 0 : index
      %get3A_162 = vector.load %arg8[%get3A_160, %get3A_161] : memref<1x1xf32, #tpu.memory_space<vmem>>, vector<1x1xf32>
      %add3A_163 = vector.broadcast %reduce_sum3A_146 : f32 to vector<1x1xf32>
      %add3A_164 = arith.addf %get3A_162, %add3A_163 : vector<1x1xf32>
      %swap3A_165 = arith.constant 0 : index
      %swap3A_166 = arith.constant 0 : index
      %swap3A_167 = vector.load %arg8[%swap3A_165, %swap3A_166] : memref<1x1xf32, #tpu.memory_space<vmem>>, vector<1x1xf32>
      tpu.vector_store %arg8[%swap3A_165, %swap3A_166], %add3A_164 {strides = array<i32>} : memref<1x1xf32, #tpu.memory_space<vmem>>, vector<1x1xf32>,
      %get3A_168 = arith.constant 0 : index
      %get3A_169 = arith.constant 0 : index
      %get3A_170 = vector.load %arg9[%get3A_168, %get3A_169] : memref<1x1xf32, #tpu.memory_space<vmem>>, vector<1x1xf32>
      %add3A_171 = vector.broadcast %reduce_sum3A_68 : f32 to vector<1x1xf32>
      %add3A_172 = arith.addf %get3A_170, %add3A_171 : vector<1x1xf32>
      %swap3A_173 = arith.constant 0 : index
      %swap3A_174 = arith.constant 0 : index
      %swap3A_175 = vector.load %arg9[%swap3A_173, %swap3A_174] : memref<1x1xf32, #tpu.memory_space<vmem>>, vector<1x1xf32>
      tpu.vector_store %arg9[%swap3A_173, %swap3A_174], %add3A_172 {strides = array<i32>} : memref<1x1xf32, #tpu.memory_space<vmem>>, vector<1x1xf32>,
    } else {
    }
    return
  }
  func.func @transform_0(%arg0: i32, %arg1: i32) -> (i32, i32, i32) {
    %c0_i32 = arith.constant 0 : i32
    %c0_i32_0 = arith.constant 0 : i32
    return %arg1, %arg0, %c0_i32 : i32, i32, i32
  }
  func.func @transform_1(%arg0: i32, %arg1: i32) -> (i32, i32, i32) {
    %c0_i32 = arith.constant 0 : i32
    %c0_i32_0 = arith.constant 0 : i32
    %c0_i32_1 = arith.constant 0 : i32
    return %arg1, %c0_i32, %c0_i32_0 : i32, i32, i32
  }
  func.func @transform_2(%arg0: i32, %arg1: i32) -> (i32, i32, i32) {
    %c0_i32 = arith.constant 0 : i32
    %c0_i32_0 = arith.constant 0 : i32
    %c0_i32_1 = arith.constant 0 : i32
    return %arg0, %c0_i32, %c0_i32_0 : i32, i32, i32
  }
  func.func @transform_3(%arg0: i32, %arg1: i32) -> (i32, i32, i32) {
    %c0_i32 = arith.constant 0 : i32
    %c0_i32_0 = arith.constant 0 : i32
    %c0_i32_1 = arith.constant 0 : i32
    return %arg0, %c0_i32, %c0_i32_0 : i32, i32, i32
  }
  func.func @transform_4(%arg0: i32, %arg1: i32) -> (i32, i32, i32) {
    %c0_i32 = arith.constant 0 : i32
    %c0_i32_0 = arith.constant 0 : i32
    %c0_i32_1 = arith.constant 0 : i32
    return %arg0, %c0_i32, %c0_i32_0 : i32, i32, i32
  }
  func.func @transform_5(%arg0: i32, %arg1: i32) -> (i32, i32) {
    %c0_i32 = arith.constant 0 : i32
    %c0_i32_0 = arith.constant 0 : i32
    %c0_i32_1 = arith.constant 0 : i32
    return %c0_i32, %c0_i32_0 : i32, i32
  }
  func.func @transform_6(%arg0: i32, %arg1: i32) -> (i32, i32) {
    %c0_i32 = arith.constant 0 : i32
    %c0_i32_0 = arith.constant 0 : i32
    %c0_i32_1 = arith.constant 0 : i32
    return %c0_i32, %c0_i32_0 : i32, i32
  }
  func.func @transform_7(%arg0: i32, %arg1: i32) -> (i32, i32) {
    %c0_i32 = arith.constant 0 : i32
    %c0_i32_0 = arith.constant 0 : i32
    %c0_i32_1 = arith.constant 0 : i32
    return %c0_i32, %c0_i32_0 : i32, i32
  }
  func.func @transform_8(%arg0: i32, %arg1: i32) -> (i32, i32, i32) {
    %c0_i32 = arith.constant 0 : i32
    %c0_i32_0 = arith.constant 0 : i32
    %c0_i32_1 = arith.constant 0 : i32
    return %arg0, %c0_i32, %c0_i32_0 : i32, i32, i32
  }
  func.func @transform_9(%arg0: i32, %arg1: i32) -> (i32, i32, i32) {
    %c0_i32 = arith.constant 0 : i32
    %c0_i32_0 = arith.constant 0 : i32
    %c0_i32_1 = arith.constant 0 : i32
    return %arg0, %c0_i32, %c0_i32_0 : i32, i32, i32
  }
}

</mosaic_0001>

<sc_bundles>
// kernel: kernel.4.cloned.1.call-start
scs
__scs_entry_jumppad:
0x0: {  	(pc) =	sbr.rel $0x88, $3  }
0x1: {  	(tag) =	ssettag $0x0;
	lr =	simm.s32 $0x1  }
0x2: {  	[smem:$0x3F9C] =	sst lr;
	_ =	strace $0xD0000000  }
0x3: {  	_ = 	snop  }
0x4: {  	_ = 	snop  }
0x5: {  	_ = 	snop  }
0x6: {  	_ = 	snop  }
0x7: {  	_ = 	snop  }
__scs_overlays_trampoline_lowered:
0x8: {  	[smem:$0x3FAB] =	sst s0  }
0x9: {  	[smem:$0x3FAC] =	sst s1  }
0xa: {  	[smem:$0x3FAD] =	sst s2  }
0xb: {  	[smem:$0x3FAE] =	sst s3  }
0xc: {  	[smem:$0x3FAF] =	sst s4  }
0xd: {  	[smem:$0x3FB0] =	sst s5  }
0xe: {  	[smem:$0x3FB1] =	sst s6  }
0xf: {  	[smem:$0x3FB2] =	sst s7  }
0x10: {  	[smem:$0x3FB3] =	sst s8  }
0x11: {  	[smem:$0x3FB4] =	sst s9;
	s0 =	simm.s32 @!p0 $0x0  }
0x12: {  	s1 =	sld [smem:$0x3F9A];
	s0 =	simm.s32 @p0 $0x1  }
0x13: {  	[smem:$0x3FB5] =	sst s0;
	s0 =	simm.s32 @!p1 $0x0  }
0x14: {  	s2 =	sld [smem:$0x3F99];
	s0 =	simm.s32 @p1 $0x1  }
0x15: {  	[smem:$0x3FB6] =	sst s0;
	s0 =	simm.s32 @!p2 $0x0  }
0x16: {  	s3 =	sld [smem:$0x3FDB];
	s0 =	simm.s32 @p2 $0x1  }
0x17: {  	s4 =	simm.s32 $0x1BF5;
	[smem:$0x3FB8] =	sst s0  }
0x18: {  	s0 =	sld [smem:$0x3F9B];
	_ =	swait.ge [sflag:s4], $0x0  }
0x19: {  	s7 =	sld [smem:$0x3F9C]  }
0x1a: {  	s8 =	sadd.s32 $0xFFFFE003, lr  }
0x1b: {  	s9 =	sadd.s32 $0xFFFFFEF7, lr;
	s5 =	simm.s32 $0xFFFFFFFF;
	p2 =	slt.u32 s8, $0xFFFFF086  }
0x1c: {  	p1 =	slt.u32 s9, $0xF7A;
	s5 =	simm.s32 @!p2 $0x0  }
0x1d: {  	s5 =	simm.s32 @p1 $0x1;
	p0 =	seq.s32 s7, s2  }
0x1e: {  	s7 =	smul.u32 @!p0 $0xF7A, s2;
	p2 =	seq.s32 @!p0 s5, $0x0  }
0x1f: {  	s9 =	smul.u32 $0xF7A, s1;
	s8 =	simm.s32 @!p0 $0x1BF5;
	p2 =	por !p2, p0  }
0x20: {  	[sflag:s8] =	ssyncset.s32 @!p0 $0xFFFFF086;
	s6 =	sadd.s32 @!p0 s3, s7;
	s7 =	simm.s32 @!p0 $0x108  }
0x21: {  	s3 =	sadd.s32 s3, s9;
	s6 =	sadd.s32 @!p0 $0x88, s6;
	s7 =	simm.s32 @p2 $0x1082  }
0x22: {  	[simem:s7], [sflag:s8] =	dma.local @!p0 [hbm:s6], $0xF7A  }
0x23: {  	s9 =	sor.u32 $0xD0000000, s2;
	s6 =	simm.s32 $0x108;
	_ =	swait.ge @!p0 [sflag:s8], $0x0  }
0x24: {  	s3 =	sadd.s32 $0x88, s3;
	s6 =	simm.s32 @!p1 $0x1082;
	[sflag:s4] =	ssyncset.s32 $0xFFFFF086  }
0x25: {  	[simem:s6], [sflag:s4] =	dma.local [hbm:s3], $0xF7A  }
0x26: {  	[smem:$0x3F9C] =	sst s1;
	(tag) =	ssettag s2;
	_ =	strace s9  }
0x27: {  	s1 =	sld [smem:$0x3FAC]  }
0x28: {  	s2 =	sld [smem:$0x3FAD]  }
0x29: {  	s4 =	sld [smem:$0x3FAF]  }
0x2a: {  	p0 =	seq.s32 s5, $0x0;
	s5 =	sld [smem:$0x3FB0]  }
0x2b: {  	s6 =	sld [smem:$0x3FB1]  }
0x2c: {  	s7 =	sld [smem:$0x3FB2]  }
0x2d: {  	s3 =	simm.s32 $0x108;
	s8 =	sld [smem:$0x3FB3]  }
0x2e: {  	s3 =	simm.s32 @!p0 $0x1082;
	s9 =	sld [smem:$0x3FB4]  }
0x2f: {  	lr =	sadd.s32 s0, s3;
	s0 =	sld [smem:$0x3FAB]  }
0x30: {  	s3 =	sld [smem:$0x3FAE]  }
0x31: {  	[smem:$0x3FB7] =	sst s10  }
0x32: {  	s10 =	sld [smem:$0x3FB5];
	_ =	sdelay $0x3  }
0x33: {  	p0 =	seq.s32 s10, $0x1;
	s10 =	sld [smem:$0x3FB7];
	_ =	sdelay $0x3  }
0x34: {  	[smem:$0x3FB7] =	sst s10  }
0x35: {  	s10 =	sld [smem:$0x3FB6];
	_ =	sdelay $0x3  }
0x36: {  	p1 =	seq.s32 s10, $0x1;
	s10 =	sld [smem:$0x3FB7];
	_ =	sdelay $0x3  }
0x37: {  	[smem:$0x3FB7] =	sst s10  }
0x38: {  	s10 =	sld [smem:$0x3FB8]  }
0x39: {  	_ = 	snop;
	(pc) =	sbr.ind lr, $3  }
0x3a: {  	_ = 	snop  }
0x3b: {  	_ = 	snop  }
0x3c: {  	p2 =	seq.s32 s10, $0x1;
	s10 =	sld [smem:$0x3FB7]  }
0x3d: {  	_ =	shalt  }
0x3e: {  	_ =	shalt  }
0x3f: {  	_ =	shalt  }
0x40: {  	_ =	shalt  }
0x41: {  	_ =	shalt  }
0x42: {  	_ =	shalt  }
0x43: {  	_ =	shalt  }
0x44: {  	_ =	shalt  }
0x45: {  	_ =	shalt  }
0x46: {  	_ =	shalt  }
0x47: {  	_ =	shalt  }
0x48: {  	_ =	shalt  }
0x49: {  	_ =	shalt  }
0x4a: {  	_ =	shalt  }
0x4b: {  	_ =	shalt  }
0x4c: {  	_ =	shalt  }
0x4d: {  	_ =	shalt  }
0x4e: {  	_ =	shalt  }
0x4f: {  	_ =	shalt  }
0x50: {  	_ =	shalt  }
0x51: {  	_ =	shalt  }
0x52: {  	_ =	shalt  }
0x53: {  	_ =	shalt  }
0x54: {  	_ =	shalt  }
0x55: {  	_ =	shalt  }
0x56: {  	_ =	shalt  }
0x57: {  	_ =	shalt  }
0x58: {  	_ =	shalt  }
0x59: {  	_ =	shalt  }
0x5a: {  	_ =	shalt  }
0x5b: {  	_ =	shalt  }
0x5c: {  	_ =	shalt  }
0x5d: {  	_ =	shalt  }
0x5e: {  	_ =	shalt  }
0x5f: {  	_ =	shalt  }
0x60: {  	_ =	shalt  }
0x61: {  	_ =	shalt  }
0x62: {  	_ =	shalt  }
0x63: {  	_ =	shalt  }
0x64: {  	_ =	shalt  }
0x65: {  	_ =	shalt  }
0x66: {  	_ =	shalt  }
0x67: {  	_ =	shalt  }
0x68: {  	_ =	shalt  }
0x69: {  	_ =	shalt  }
0x6a: {  	_ =	shalt  }
0x6b: {  	_ =	shalt  }
0x6c: {  	_ =	shalt  }
0x6d: {  	_ =	shalt  }
0x6e: {  	_ =	shalt  }
0x6f: {  	_ =	shalt  }
0x70: {  	_ =	shalt  }
0x71: {  	_ =	shalt  }
0x72: {  	_ =	shalt  }
0x73: {  	_ =	shalt  }
0x74: {  	_ =	shalt  }
0x75: {  	_ =	shalt  }
0x76: {  	_ =	shalt  }
0x77: {  	_ =	shalt  }
0x78: {  	_ =	shalt  }
0x79: {  	_ =	shalt  }
0x7a: {  	_ =	shalt  }
0x7b: {  	_ =	shalt  }
0x7c: {  	_ =	shalt  }
0x7d: {  	_ =	shalt  }
0x7e: {  	_ =	shalt  }
0x7f: {  	_ =	shalt  }
0x80: {  	_ =	shalt  }
0x81: {  	_ =	shalt  }
0x82: {  	_ =	shalt  }
0x83: {  	_ =	shalt  }
0x84: {  	_ =	shalt  }
0x85: {  	_ =	shalt  }
0x86: {  	_ =	shalt  }
0x87: {  	_ =	shalt  }
.Lfunc_end0:
.L_simem_size_0:
called_computation_lowered:
.L_overlay_start_0:
0x88: {  	s2 =	sld [smem:$0x3FD9]  }
0x89: {  	s3 =	sld [smem:$0x3FFE];
	_ =	sdelay $0x1  }
0x8a: {  	s1 =	srdreg.scid  }
0x8b: {  	s0 =	sand.u32 $0x1, s1  }
0x8c: {  	s16 =	sshll.u32 s0, $0xA;
	s2 =	sadd.s32 s3, s2  }
0x8d: {  	s2 =	sadd.s32 s2, s16  }
0x8e: {  	[smem:$0x3FC3] =	sst s2  }
0x8f: {  	_ = 	snop  }
0x90: {  	(tm) =	ssettm $0x1  }
0x91: {  	s17 =	sld [smem:$0x3FFB];
	_ =	sdelay $0x3  }
0x92: {  	_ =	strace s17  }
0x93: {  	s2 =	sld [smem:$0x3FFC];
	_ =	sdelay $0x3  }
0x94: {  	_ =	strace s2  }
0x95: {  	s2 =	sld [smem:$0x3FFD];
	_ =	sdelay $0x3  }
0x96: {  	_ =	strace s2  }
0x97: {  	_ =	strace $0x8FFFFFFF  }
0x98: {  	s18 =	sld [smem:$0x3FDB];
	_ =	sdelay $0x1  }
0x99: {  	s19 =	simm.s32 $_scs_section_size  }
0x9a: {  	s4 =	simm.s32 $_size__tile_overlayer_lowered;
	s5 =	simm.s32 $_tile_overlayer_lowered  }
0x9b: {  	s22 =	simm.s32 $0x1BFF;
	s21 =	sshll.u32 s5, $0x1;
	s2 =	sadd.s32 s19, s18  }
0x9c: {  	s6 =	simm.s32 $0x0;
	s20 =	sshll.u32 s4, $0x1;
	s4 =	sadd.s32 s21, s2  }
0x9d: {  	[timem:s6], [sflag:s22] =	dma.local [hbm:s4], s20  }
0x9e: {  	_ =	swait.ge [sflag:s22], s20  }
0x9f: {  	s3 =	ssub.s32 $0x0, s20;
	[sflag:s22] =	ssyncset.done $0x0  }
0xa0: {  	[sflag:s22] =	ssyncadd.s32 s3;
	_ =	sdelay $0x1  }
0xa1: {  	s23 =	simm.s32 $0x1B8B  }
0xa2: {  	_ =	swait.ge [sflag:s23], $0x1  }
0xa3: {  	[sflag:s23] =	ssyncset.done $0x0  }
0xa4: {  	s25 =	simm.s32 $0x1B8E;
	s24 =	sld [smem:$0x3FFE];
	[sflag:s23] =	ssyncadd.s32 $0xFFFFFFFF  }
0xa5: {  	s26 =	simm.s32 $execute0_lowered;
	[smem:$0x3FD2] =	sst s25  }
0xa6: {  	s4 =	sshll.u32 s26, $0x1;
	_ =	strace $0x80000046;
	[dreg:$0x1] =	wrdreg $0xFFFFFFFF  }
0xa7: {  	s28 =	simm.s32 $_size_execute0_lowered;
	s2 =	sadd.s32 s2, s4;
	[dreg:$0x0] =	wrdreg $0x0  }
0xa8: {  	s4 =	sshll.u32 s28, $0x1;
	[dreg:$0x2] =	wrdreg s2  }
0xa9: {  	[dreg:$0x3] =	wrdreg s4  }
0xaa: {  	[dreg:$0x4] =	wrdreg $0xC0  }
0xab: {  	_ =	task [dreg:s6], $0x5FFFF  }
0xac: {  	[dreg:$0x1] =	wrdreg $0xFFFFFFFF  }
0xad: {  	[dreg:$0x0] =	wrdreg $0x60  }
0xae: {  	[dreg:$0x2] =	wrdreg s24  }
0xaf: {  	[dreg:$0x3] =	wrdreg $0x9  }
0xb0: {  	_ =	task.clear_ibuf [dreg:s6], $0x4FFFF;
	_ =	strace $0x90000046  }
0xb1: {  	s29 =	simm.s32 $0x9;
	_ =	strace $0x80000048  }
0xb2: {  	_ =	swait.ge [sflag:s29], $0x1  }
0xb3: {  	[sflag:s29] =	ssyncadd.s32 $0xFFFFFFFF  }
0xb4: {  	_ =	strace $0x90000048  }
0xb5: {  	_ =	sfence  }
0xb6: {  	s30 =	sld [smem:$0x0];
	_ =	sdelay $0x2  }
0xb7: {  	s31 =	sshll.u32 s1, $0xD;
	s1 =	sshrl.u32 s1, $0x2  }
0xb8: {  	s3 =	sand.u32 $0x4000, s31;
	s1 =	sadd.s32 s1, s30  }
0xb9: {  	s0 =	sor.u32 s3, s0;
	s1 =	sshll.u32 s1, $0x11  }
0xba: {  	s0 =	sor.u32 s1, s0  }
0xbb: {  	s0 =	sadd.s32 $0x8F2B, s0  }
0xbc: {  	[sflag:s0] =	ssyncadd.remote.s32 $0x1  }
0xbd: {  	_ =	sfence.sel $0xFFFF  }
0xbe: {  	[dreg:$0x0] =	wrdreg $0xFFFFFFFF;
	(pc) =	sbr.abs _section_cstart, $3  }
0xbf: {  	[dreg:$0x1] =	wrdreg $0xFFFFFFFF  }
0xc0: {  	_ =	task.clear_ibuf [dreg:s6], $0x2FFFF;
	_ =	strace $0x9FFFFFFF  }
0xc1: {  	(tm) =	ssettm $0x7FFFFFFF  }
tec
execute0_lowered:
.L_overlay_start_1:
0x0: {  	(tag) =	ssettag $0x1  }
0x1: {  	s2 =	rddreg [dreg:$0x0]  }
0x2: {  	s0 =	rddreg [dreg:$0x1];
	s1 =	simm.s32 $0x0;
	s3 =	srdreg.scid  }
0x3: {  	s12 =	simm.s32 $0x1;
	s13 =	simm.s32 $0x2280;
	s14 =	simm.s32 $0x2300  }
0x4: {  	s15 =	simm.s32 $0x0;
	[smem:$0x7FF] =	sst s1;
	s7 =	sand.u32 $0x1, s3  }
0x5: {  	s3 =	sadd.s32 $0x1200, s2;
	s4 =	sadd.s32 $0xE00, s2;
	s5 =	sadd.s32 $0x12600, s2  }
0x6: {  	s2 =	stileid.u32;
	_ =	strace $0x80000047;
	s6 =	ssub.s32 $0x2, s7  }
0x7: {  	s9 =	sshrl.u32 s2, $0x1;
	s10 =	sshll.u32 s2, $0x9;
	s11 =	sshll.u32 s7, $0x8  }
0x8: {  	s8 =	sshrl.u32 s6, $0x1;
	s10 =	sand.u32 $0x200, s10;
	s7 =	sshll.u32 s9, $0xA  }
0x9: {  	s8 =	ssub.s32 s6, s8;
	s6 =	smul.u32 $0x11400, s9;
	s9 =	sor.u32 s11, s10  }
0xa: {  	v0 =	vimm.f32 $1.000000000e+00;
	v1 =	vimm.f32 $0.0e+00;
	vm0 =	vcmask $0x300;
	s10 =	simm.s32 $0x80;
	s11 =	simm.s32 $0x400;
	s8 =	smax.u32 s8, $0x1  }
.LBB2_1:
0xb: {  	p1 =	por $0x1, $0x1;
	s16 =	simm.s32 $0x0  }
.LBB2_2:
0xc: {  	s16 =	sor.u32 s9, s16  }
0xd: {  	s17 =	sor.u32 s6, s16  }
0xe: {  	s17 =	sshrl.u32 s17, $0x3  }
0xf: {  	s18 =	sadd.s32 s3, s17;
	s17 =	simm.s32 $0x0  }
0x10: {  	[tilespmem:s17], [sflag:$0x1] =	stream.strided.gather [hbm4b:s18+s10], $0x2280, s11, s10, $0x38;
	[tilespmem:$0x2380] =	vst v63  }
0x11: {  	s16 =	sor.u32 s7, s16;
	_ =	swait.ge [sflag:s12], $0x2280  }
0x12: {  	s16 =	sshrl.u32 s16, $0x3;
	[sflag:s12] =	ssyncset.done $0x0  }
0x13: {  	s30 =	sadd.s32 s4, s16;
	[sflag:s12] =	ssyncadd.s32 $0xFFFFDD80  }
0x14: {  	[tilespmem:s13], [sflag:$0x1] =	stream.linear.gather [hbm4b:s30+s17], $0x80, $0x38;
	[tilespmem:$0x2380] =	vst v63  }
0x15: {  	_ =	swait.ge [sflag:s12], $0x80  }
0x16: {  	[sflag:s12] =	ssyncset.done $0x0  }
0x17: {  	[sflag:s12] =	ssyncadd.s32 $0xFFFFFF80  }
0x18: {  	v2 =	vld [tilespmem:$0x2280];
	_ =	sdelay $0x4  }
0x19: {  	(v2sf) =	vpush v2, $0x0;
	_ =	sdelay $0xe  }
0x1a: {  	s31 =	spop (v2sf)  }
0x1b: {  	s18 =	scvt.f32.s32 s31;
	_ =	sdelay $0x1  }
0x1c: {  	s19 =	smul.u32 $0x3, s18  }
0x1d: {  	s18 =	ssub.s32 $0x221C, s18  }
0x1e: {  	p2 =	slt.s32 s19, s18  }
.Ltmp0:
0x1f: {  	_ = 	snop;
	(pc) =	sbr.rel @!p2 .LBB2_3-.Ltmp0, $3  }
0x20: {  	_ =	sdelay $0x1  }
0x21: {  	p0 =	por p1, p1  }
0x22: {  	s20 =	simm.s32 $0x7F7FFFFF;
	s18 =	scvt.s32.f32 s19;
	s19 =	simm.s32 $0x0  }
.LBB2_8:
0x23: {  	s21 =	ssub.s32 s20, s17  }
0x24: {  	s22 =	sadd.s32 $0x1, s21;
	p1 =	slt.u32 s21, $0x7FFFFFFF;
	s21 =	simm.s32 $0x1  }
0x25: {  	s21 =	simm.s32 @!p1 $0x0;
	s23 =	sshra.s32 s22, $0x1F  }
0x26: {  	s29 =	sand.u32 $0x1, s22;
	s21 =	sadd.s32 s21, s23  }
0x27: {  	s24 =	sshrl.u32 s22, $0x1F;
	p2 =	seq.s32 s29, $0x1;
	p6 =	sne.s32 s21, $0x1  }
0x28: {  	s30 =	sadd.s32 s24, s22;
	p1 =	por !p6, !p2  }
0x29: {  	s22 =	simm.s32 $0x1;
	s21 =	sshra.s32 s30, $0x1;
	p1 =	por !p1, !p1  }
0x2a: {  	s31 =	simm.s32 $0x0;
	s21 =	sadd.s32 s17, s21;
	s22 =	simm.s32 @!p1 $0x0  }
0x2b: {  	v4 =	vld [tilespmem:s31+$0x0];
	s21 =	ssub.s32 s21, s22  }
0x2c: {  	v2 =	vimm.f32 $0.0e+00;
	s22 =	simm.s32 $0x40;
	v3 =	vmov s21  }
.LBB2_9:
0x2d: {  	p1 =	sne.s32 s22, $0x8840  }
.Ltmp1:
0x2e: {  	_ = 	snop;
	(pc) =	sbr.rel @p1 .LBB2_9-.Ltmp1, $4  }
0x2f: {  	_ = 	snop  }
0x30: {  	s23 =	sshra.s32 s22, $0x2;
	s22 =	sadd.s32 $0x40, s22;
	vm1 =	vlt.s32 v4, v3  }
0x31: {  	v4 =	vld [tilespmem:s23+$0x0];
	v5 =	vsel vm1, $0x0, v0  }
0x32: {  	v2 =	vadd.f32 v5, v2  }
0x33: {  	_ =	sdelay $0x2  }
0x34: {  	vm1 =	vlt.s32 v4, v3  }
0x35: {  	v3 =	vsel vm1, $0x0, v0  }
0x36: {  	v2 =	vadd.f32 v3, v2;
	_ =	sdelay $0x1  }
0x37: {  	(v2sf) =	vpush v2, $0x0  }
0x38: {  	(v2sf) =	vpush v2, $0x1;
	_ =	sdelay $0x1  }
0x39: {  	(v2sf) =	vpush v2, $0x2;
	_ =	sdelay $0x1  }
0x3a: {  	(v2sf) =	vpush v2, $0x3;
	_ =	sdelay $0x1  }
0x3b: {  	(v2sf) =	vpush v2, $0x4;
	_ =	sdelay $0x1  }
0x3c: {  	(v2sf) =	vpush v2, $0x5;
	_ =	sdelay $0x1  }
0x3d: {  	(v2sf) =	vpush v2, $0x6;
	_ =	sdelay $0x1  }
0x3e: {  	(v2sf) =	vpush v2, $0x7;
	_ =	sdelay $0x1  }
0x3f: {  	s22 =	spop (v2sf);
	(v2sf) =	vpush v2, $0x8  }
0x40: {  	s23 =	spop (v2sf)  }
0x41: {  	(v2sf) =	vpush v2, $0x9;
	s22 =	sadd.f32 s23, s22  }
0x42: {  	s24 =	spop (v2sf)  }
0x43: {  	(v2sf) =	vpush v2, $0xA;
	s22 =	sadd.f32 s22, s24  }
0x44: {  	s25 =	spop (v2sf)  }
0x45: {  	(v2sf) =	vpush v2, $0xB;
	s22 =	sadd.f32 s22, s25  }
0x46: {  	s26 =	spop (v2sf)  }
0x47: {  	(v2sf) =	vpush v2, $0xC;
	s22 =	sadd.f32 s22, s26  }
0x48: {  	s28 =	spop (v2sf)  }
0x49: {  	(v2sf) =	vpush v2, $0xD;
	s22 =	sadd.f32 s22, s28  }
0x4a: {  	s29 =	spop (v2sf)  }
0x4b: {  	(v2sf) =	vpush v2, $0xE;
	s22 =	sadd.f32 s22, s29  }
0x4c: {  	s30 =	spop (v2sf)  }
0x4d: {  	(v2sf) =	vpush v2, $0xF;
	s22 =	sadd.f32 s22, s30  }
0x4e: {  	s31 =	spop (v2sf)  }
0x4f: {  	s22 =	sadd.f32 s22, s31  }
0x50: {  	s24 =	spop (v2sf)  }
0x51: {  	s22 =	sadd.f32 s22, s24  }
0x52: {  	s25 =	spop (v2sf)  }
0x53: {  	s22 =	sadd.f32 s22, s25  }
0x54: {  	s26 =	spop (v2sf)  }
0x55: {  	s22 =	sadd.f32 s22, s26  }
0x56: {  	s28 =	spop (v2sf)  }
0x57: {  	s22 =	sadd.f32 s22, s28  }
0x58: {  	s29 =	spop (v2sf)  }
0x59: {  	s22 =	sadd.f32 s22, s29  }
0x5a: {  	s30 =	spop (v2sf)  }
0x5b: {  	s22 =	sadd.f32 s22, s30  }
0x5c: {  	s19 =	sadd.s32 $0x1, s19;
	s31 =	spop (v2sf)  }
0x5d: {  	p2 =	seq.s32 s19, $0x1F;
	s22 =	sadd.f32 s22, s31  }
.Ltmp2:
0x5e: {  	_ = 	snop;
	(pc) =	sbr.rel @!p2 .LBB2_8-.Ltmp2, $4  }
0x5f: {  	p1 =	sge.f32 s22, s18  }
0x60: {  	s22 =	sadd.s32 $0xFFFFFFFF, s21  }
0x61: {  	s22 =	smov.u32 @p1 s20  }
0x62: {  	s17 =	smov.u32 @p1 s21;
	s20 =	smov.u32 s22  }
.LBB2_3:
0x63: {  	s20 =	simm.s32 $0x0  }
0x64: {  	v3 =	vld [tilespmem:s20+$0x0]  }
0x65: {  	v4 =	vmov s17;
	v2 =	vimm.f32 $0.0e+00;
	s19 =	simm.s32 $0x40;
	v5 =	vimm.f32 $0.0e+00  }
.LBB2_4:
0x66: {  	p1 =	sne.s32 s19, $0x8840  }
.Ltmp3:
0x67: {  	_ = 	snop;
	(pc) =	sbr.rel @p1 .LBB2_4-.Ltmp3, $4  }
0x68: {  	_ = 	snop  }
0x69: {  	s20 =	sshra.s32 s19, $0x2;
	s19 =	sadd.s32 $0x40, s19;
	vm1 =	vlt.s32 v4, v3  }
0x6a: {  	v6 =	vnsel vm1, $0x0, v3;
	v3 =	vld [tilespmem:s20+$0x0];
	v7 =	vsel vm1, $0x3F800000, v1  }
0x6b: {  	v2 =	vadd.f32 v6, v2;
	v5 =	vadd.f32 v7, v5  }
0x6c: {  	_ =	sdelay $0x2  }
0x6d: {  	vm1 =	vlt.s32 v4, v3  }
0x6e: {  	v4 =	vsel vm1, $0x3F800000, v1  }
0x6f: {  	v4 =	vadd.f32 v4, v5;
	_ =	sdelay $0x1  }
0x70: {  	(v2sf) =	vpush v4, $0x0  }
0x71: {  	(v2sf) =	vpush v4, $0x1;
	_ =	sdelay $0x1  }
0x72: {  	(v2sf) =	vpush v4, $0x2;
	_ =	sdelay $0x1  }
0x73: {  	(v2sf) =	vpush v4, $0x3;
	_ =	sdelay $0x1  }
0x74: {  	(v2sf) =	vpush v4, $0x4;
	_ =	sdelay $0x1  }
0x75: {  	(v2sf) =	vpush v4, $0x5;
	_ =	sdelay $0x1  }
0x76: {  	(v2sf) =	vpush v4, $0x6;
	_ =	sdelay $0x1  }
0x77: {  	(v2sf) =	vpush v4, $0x7;
	_ =	sdelay $0x1  }
0x78: {  	s19 =	spop (v2sf);
	(v2sf) =	vpush v4, $0x8  }
0x79: {  	s20 =	spop (v2sf)  }
0x7a: {  	(v2sf) =	vpush v4, $0x9;
	s19 =	sadd.f32 s20, s19  }
0x7b: {  	s28 =	spop (v2sf)  }
0x7c: {  	(v2sf) =	vpush v4, $0xA;
	s19 =	sadd.f32 s19, s28  }
0x7d: {  	s29 =	spop (v2sf)  }
0x7e: {  	(v2sf) =	vpush v4, $0xB;
	s19 =	sadd.f32 s19, s29  }
0x7f: {  	s30 =	spop (v2sf)  }
0x80: {  	(v2sf) =	vpush v4, $0xC;
	s19 =	sadd.f32 s19, s30  }
0x81: {  	s31 =	spop (v2sf)  }
0x82: {  	(v2sf) =	vpush v4, $0xD;
	s19 =	sadd.f32 s19, s31  }
0x83: {  	s21 =	spop (v2sf)  }
0x84: {  	(v2sf) =	vpush v4, $0xE;
	s19 =	sadd.f32 s19, s21  }
0x85: {  	s22 =	spop (v2sf)  }
0x86: {  	(v2sf) =	vpush v4, $0xF;
	s19 =	sadd.f32 s19, s22  }
0x87: {  	s23 =	spop (v2sf)  }
0x88: {  	s19 =	sadd.f32 s19, s23  }
0x89: {  	s24 =	spop (v2sf)  }
0x8a: {  	s19 =	sadd.f32 s19, s24  }
0x8b: {  	s25 =	spop (v2sf)  }
0x8c: {  	s19 =	sadd.f32 s19, s25  }
0x8d: {  	s26 =	spop (v2sf)  }
0x8e: {  	s19 =	sadd.f32 s19, s26  }
0x8f: {  	s28 =	spop (v2sf)  }
0x90: {  	s19 =	sadd.f32 s19, s28  }
0x91: {  	s29 =	spop (v2sf)  }
0x92: {  	s19 =	sadd.f32 s19, s29  }
0x93: {  	s30 =	spop (v2sf)  }
0x94: {  	s19 =	sadd.f32 s19, s30  }
0x95: {  	s31 =	spop (v2sf)  }
0x96: {  	s19 =	sadd.f32 s19, s31;
	_ =	sdelay $0x1  }
0x97: {  	s20 =	ssub.f32 s18, s19;
	_ =	sdelay $0x1  }
0x98: {  	p1 =	slt.f32 s19, s18;
	s17 =	smul.f32 s17, s20  }
0x99: {  	_ = 	snop  }
0x9a: {  	v3 =	vnsel vm1, $0x0, v3;
	s17 =	simm.s32 @!p1 $0x0  }
0x9b: {  	v2 =	vadd.f32 v3, v2;
	v3 =	vmov s17  }
0x9c: {  	v3 =	vnsel vm0, $0x0, v3  }
0x9d: {  	v2 =	vadd.f32 v3, v2;
	_ =	sdelay $0x1  }
.Ltmp4:
0x9e: {  	s16 =	sadd.s32 s5, s16;
	[tilespmem:$0x2300] =	vst v2;
	(pc) =	sbr.rel @p0 .LBB2_2-.Ltmp4, $4  }
0x9f: {  	[hbm4b:s16+s1] =	stream.linear.scatter [tilespmem:s14], [sflag:$0x1], $0x80, $0x38;
	[tilespmem:$0x2380] =	vst v63  }
0xa0: {  	_ =	swait.ge [sflag:s12], $0x80  }
0xa1: {  	[sflag:s12] =	ssyncset.done $0x0  }
0xa2: {  	p1 =	por $0x0, $0x0;
	s16 =	simm.s32 $0x80;
	[sflag:s12] =	ssyncadd.s32 $0xFFFFFF80  }
0xa3: {  	s15 =	sadd.s32 $0x1, s15  }
0xa4: {  	p0 =	sne.s32 s15, s8  }
.Ltmp5:
0xa5: {  	_ = 	snop;
	(pc) =	sbr.rel @p0 .LBB2_1-.Ltmp5, $1  }
0xa6: {  	_ =	sdelay $0x3  }
0xa7: {  	_ =	sfence.sel $0x180000  }
0xa8: {  	[bflag:$0x0] =	sbarrier.arrive $0xFFFF  }
0xa9: {  	p0 =	sne.s32 s2, $0x0;
	_ =	strace $0x90000047  }
0xaa: {  	s0 =	sadd.s32 @!p0 $0x100000, s0;
	[bflag:$0x2] =	sbarrier.arrive $0xFFFF  }
0xab: {  	[sflag:s0] =	ssyncadd.tile.s32 @!p0 $0x1;
	_ =	shalt  }
.Lfunc_end2:
_tile_overlayer_lowered:
.L_overlay_start_2:
0xac: {  	(tag) =	ssettag $0x2  }
0xad: {  	s0 =	rddreg [dreg:$0x0];
	s2 =	stileid.u32  }
0xae: {  	s1 =	rddreg [dreg:$0x1];
	p0 =	sne.s32 s2, $0x0  }
0xaf: {  	s3 =	rddreg [dreg:$0x2];
	[bflag:$0x3] =	sbarrier.arrive $0xFFFF;
	s2 =	simm.s32 @!p0 $0x1C01  }
0xb0: {  	[timem:s3], [sflag:s2] =	dma.local @!p0 [hbm:s0], s1  }
0xb1: {  	s0 =	simm.s32 @!p0 $0x1  }
0xb2: {  	_ =	swait.ge @!p0 [sflag:s0], s1  }
0xb3: {  	s1 =	ssub.s32 @!p0 $0x0, s1;
	[sflag:s0] =	ssyncset.done @!p0 $0x0  }
0xb4: {  	[sflag:s0] =	ssyncadd.s32 @!p0 s1  }
0xb5: {  	[bflag:$0x3] =	sbarrier.arrive $0xFFFF  }
0xb6: {  	_ =	shalt  }

</sc_bundles>
